<compile_context>
chip_gen: v7x
topology: tpu7x:2x2x1
jax: 0.10.2.dev20260603
libtpu: 0.0.44.dev20260713+nightly
codegen_flags: <defaults>
</compile_context>

<pallas_src>
import functools

import jax
import jax.numpy as jnp
from jax import lax
from jax.experimental import pallas as pl
from jax.experimental.pallas import tpu as pltpu
from jax.experimental.pallas import tpu_sc as plsc

N = 10000
E = 320000
D = 128

NC = 2
NS = 16
NW = NC * NS
CH = 128
CHP = 80
E_PAD = NW * CHP * CH
R_TILE = 640
R_LAST = N - (NS - 1) * R_TILE
N_ACC = N + CH

N_HIST = NS * R_TILE

_sc_mesh = plsc.VectorSubcoreMesh(
    core_axis_name="c", subcore_axis_name="s", num_cores=NC, num_subcores=NS)


@functools.partial(
    pl.kernel,
    out_type=jax.ShapeDtypeStruct((NC, 1, N_HIST), jnp.float32),
    mesh=_sc_mesh,
    scratch_types=[
        pltpu.VMEM((CHP, CH), jnp.int32),
        pltpu.VMEM((R_TILE,), jnp.float32),
        pltpu.VMEM((CH,), jnp.float32),
        pltpu.VMEM_SHARED((N_HIST,), jnp.float32),
    ],
)
def _deg_kernel(dstp_hbm, out_hbm, dstb, zbuf, ones_v, hist):
    c = lax.axis_index("c")
    s = lax.axis_index("s")
    wid = c * NS + s
    r0 = s * R_TILE

    pltpu.sync_copy(dstp_hbm.at[wid], dstb)

    def zb(i, carry):
        zbuf[pl.ds(i * 16, 16)] = jnp.zeros((16,), jnp.float32)
        return carry

    lax.fori_loop(0, R_TILE // 16, zb, 0)

    def ob(i, carry):
        ones_v[pl.ds(i * 16, 16)] = jnp.ones((16,), jnp.float32)
        return carry

    lax.fori_loop(0, CH // 16, ob, 0)

    pltpu.sync_copy(zbuf, hist.at[pl.ds(r0, R_TILE)])
    plsc.subcore_barrier()

    def body(j, carry):
        pltpu.sync_copy(ones_v, hist.at[dstb.at[j]], add=True)
        return carry

    lax.fori_loop(0, CHP, body, 0)
    plsc.subcore_barrier()
    pltpu.sync_copy(hist.at[pl.ds(r0, R_TILE)],
                    out_hbm.at[c, 0, pl.ds(r0, R_TILE)])


@functools.partial(
    pl.kernel,
    out_type=jax.ShapeDtypeStruct((NC, N, D), jnp.float32),
    mesh=_sc_mesh,
    scratch_types=[
        pltpu.VMEM((CHP, CH), jnp.int32),
        pltpu.VMEM((CH,), jnp.int32),
        pltpu.VMEM((CH,), jnp.int32),
        pltpu.VMEM((CH, D), jnp.float32),
        pltpu.VMEM((CH, D), jnp.float32),
        pltpu.VMEM_SHARED((N_ACC, D), jnp.float32),
        pltpu.SemaphoreType.DMA,
        pltpu.SemaphoreType.DMA,
        pltpu.SemaphoreType.DMA,
        pltpu.SemaphoreType.DMA,
    ],
)
def _agg_kernel(srcp_hbm, dstf_hbm, hs_hbm, zeros_hbm, out_hbm,
                srcb, dstd_a, dstd_b, rows_a, rows_b, acc,
                sem_a, sem_b, sem_da, sem_db):
    c = lax.axis_index("c")
    s = lax.axis_index("s")
    wid = c * NS + s
    r0 = s * R_TILE
    ebase = wid * (CHP * CH)

    pltpu.sync_copy(srcp_hbm.at[wid], srcb)

    def _fetch(j, rows, sem, dstd, sem_d):
        pltpu.async_copy(dstf_hbm.at[pl.ds(ebase + j * CH, CH)], dstd, sem_d)
        pltpu.async_copy(hs_hbm.at[srcb.at[j]], rows, sem)

    def _fwait(rows, sem, dstd, sem_d):
        pltpu.make_async_copy(dstf_hbm.at[pl.ds(0, CH)], dstd, sem_d).wait()
        pltpu.make_async_copy(hs_hbm.at[srcb.at[0]], rows, sem).wait()

    def _scat(rows, dstd):
        pltpu.sync_copy(rows, acc.at[dstd], add=True)

    _fetch(0, rows_a, sem_a, dstd_a, sem_da)
    _fetch(1, rows_b, sem_b, dstd_b, sem_db)

    def _init(nr):
        @pl.when(c == 0)
        def _():
            pltpu.sync_copy(hs_hbm.at[pl.ds(r0, nr)], acc.at[pl.ds(r0, nr)])

        @pl.when(c != 0)
        def _():
            pltpu.sync_copy(zeros_hbm.at[pl.ds(0, nr)], acc.at[pl.ds(r0, nr)])

    @pl.when(s < NS - 1)
    def _():
        _init(R_TILE)

    @pl.when(s == NS - 1)
    def _():
        _init(R_LAST)

    plsc.subcore_barrier()

    def body(jj, carry):
        a = 2 * jj
        _fwait(rows_a, sem_a, dstd_a, sem_da)
        _scat(rows_a, dstd_a)

        @pl.when(jj < CHP // 2 - 1)
        def _():
            _fetch(a + 2, rows_a, sem_a, dstd_a, sem_da)

        _fwait(rows_b, sem_b, dstd_b, sem_db)
        _scat(rows_b, dstd_b)

        @pl.when(jj < CHP // 2 - 1)
        def _():
            _fetch(a + 3, rows_b, sem_b, dstd_b, sem_db)

        return carry

    lax.fori_loop(0, CHP // 2, body, 0)
    plsc.subcore_barrier()

    @pl.when(s < NS - 1)
    def _():
        pltpu.sync_copy(acc.at[pl.ds(r0, R_TILE)],
                        out_hbm.at[c, pl.ds(r0, R_TILE)])

    @pl.when(s == NS - 1)
    def _():
        pltpu.sync_copy(acc.at[pl.ds(r0, R_LAST)],
                        out_hbm.at[c, pl.ds(r0, R_LAST)])


BR = 1000


def _disq(degp_ref):
    deg = degp_ref[0] + degp_ref[1] + 1.0
    return lax.rsqrt(deg)


def _tc_mm_body(x_ref, w_ref, h_ref):
    h_ref[:] = jnp.dot(x_ref[:], w_ref[:], preferred_element_type=jnp.float32)


def _tc_scale_body(degp_ref, h_ref, hs_ref):
    hs_ref[:] = h_ref[:] * _disq(degp_ref)


def _tc2_body(degp_ref, aggp_ref, b_ref, w_ref, hs_ref):
    dis = _disq(degp_ref)
    agg = aggp_ref[0] + aggp_ref[1]
    o1 = jnp.maximum(agg * dis + b_ref[:], 0.0)
    h = jnp.dot(o1, w_ref[:], preferred_element_type=jnp.float32)
    hs_ref[:] = h * dis


def _tc3_body(degp_ref, aggp_ref, b_ref, out_ref):
    agg = aggp_ref[0] + aggp_ref[1]
    out_ref[:] = agg * _disq(degp_ref) + b_ref[:]


_degp_spec = pl.BlockSpec((NC, BR, 1), lambda i: (0, i, 0))
_aggp_spec = pl.BlockSpec((NC, BR, D), lambda i: (0, i, 0))
_row_spec = pl.BlockSpec((BR, D), lambda i: (i, 0))
_w_spec = pl.BlockSpec((D, D), lambda i: (0, 0))
_b_spec = pl.BlockSpec((1, D), lambda i: (0, 0))
_out_sds = jax.ShapeDtypeStruct((N, D), jnp.float32)

_tc_mm = pl.pallas_call(
    _tc_mm_body, grid=(N // BR,),
    in_specs=[_row_spec, _w_spec],
    out_specs=_row_spec, out_shape=_out_sds)

_tc_scale = pl.pallas_call(
    _tc_scale_body, grid=(N // BR,),
    in_specs=[_degp_spec, _row_spec],
    out_specs=_row_spec, out_shape=_out_sds)

_tc2 = pl.pallas_call(
    _tc2_body, grid=(N // BR,),
    in_specs=[_degp_spec, _aggp_spec, _b_spec, _w_spec],
    out_specs=_row_spec, out_shape=_out_sds)

_tc3 = pl.pallas_call(
    _tc3_body, grid=(N // BR,),
    in_specs=[_degp_spec, _aggp_spec, _b_spec],
    out_specs=_row_spec, out_shape=_out_sds)


def kernel(x, edge_index, W1, b1, W2, b2):
    pad = E_PAD - E
    pad_src = jnp.arange(pad, dtype=jnp.int32) % N
    srcp = jnp.concatenate(
        [edge_index[0], pad_src]).reshape(NW, CHP, CH)
    pad_dst = N + (jnp.arange(pad, dtype=jnp.int32) % CH)
    dstf = jnp.concatenate([edge_index[1], pad_dst])
    dstp = dstf.reshape(NW, CHP, CH)
    zeros_row = jnp.zeros((R_TILE, D), jnp.float32)

    h1 = _tc_mm(x, W1)
    degp3 = _deg_kernel(dstp)
    degp = degp3[:, 0, :N].reshape(NC, N, 1)
    hs1 = _tc_scale(degp, h1)
    aggp1 = _agg_kernel(srcp, dstf, hs1, zeros_row)
    hs2 = _tc2(degp, aggp1, b1.reshape(1, D), W2)
    aggp2 = _agg_kernel(srcp, dstf, hs2, zeros_row)
    return _tc3(degp, aggp2, b2.reshape(1, D))

# --- scband reference (transcript-rebuilt; emitter-appended) ---
"""Pipeline reference for scband-gcnencoder-30760555774417 (READ-ONLY COPY).

The authoritative reference and input builder live on the scoring server;
editing this copy changes nothing except your own understanding.
"""

import jax, jax.numpy as jnp
import numpy as np

N = 10000
E = 320000
D_IN = 128
D_H = 128
D_OUT = 128


def _glorot(key, fan_in, fan_out):
    limit = np.sqrt(6.0 / (fan_in + fan_out))
    return jax.random.uniform(key, (fan_in, fan_out), dtype=jnp.float32, minval=-limit, maxval=limit)


def setup_inputs(seed: int = 0) -> dict:
    key = jax.random.key(seed)
    k1, k2, k3, k4 = jax.random.split(key, 4)
    x = jax.random.normal(k1, (N, D_IN), dtype=jnp.float32)
    edge_index = jax.random.randint(k2, (2, E), 0, N, dtype=jnp.int32)
    W1 = _glorot(k3, D_IN, D_H)
    b1 = jnp.zeros((D_H,), dtype=jnp.float32)
    W2 = _glorot(k4, D_H, D_OUT)
    b2 = jnp.zeros((D_OUT,), dtype=jnp.float32)
    return {"x": x, "edge_index": edge_index, "W1": W1, "b1": b1, "W2": W2, "b2": b2}


def _gcn_conv(x, edge_index, W, b):
    n = x.shape[0]
    src = edge_index[0]
    dst = edge_index[1]
    # add self loops (PyG GCNConv default add_self_loops=True)
    loop = jnp.arange(n, dtype=src.dtype)
    src = jnp.concatenate([src, loop])
    dst = jnp.concatenate([dst, loop])
    edge_w = jnp.ones(src.shape[0], dtype=x.dtype)
    # symmetric normalization D^{-1/2} A_hat D^{-1/2}
    deg = jax.ops.segment_sum(edge_w, dst, num_segments=n)
    deg_inv_sqrt = jnp.where(deg > 0, deg ** -0.5, 0.0)
    norm = deg_inv_sqrt[src] * edge_w * deg_inv_sqrt[dst]
    # linear transform then propagate
    h = x @ W
    msg = h[src] * norm[:, None]
    out = jax.ops.segment_sum(msg, dst, num_segments=n)
    return out + b


def reference(x, edge_index, W1, b1, W2, b2):
    h = _gcn_conv(x, edge_index, W1, b1)
    h = jax.nn.relu(h)
    out = _gcn_conv(h, edge_index, W2, b2)
    return out

if __name__ == "__main__":
    import jax
    _d = setup_inputs()
    print(jax.jit(kernel)(*tuple(_d.values())))

</pallas_src>

<mosaic_0001>
#map = affine_map<(d0, d1) -> (0, 0, 0)>
module attributes {stable_mosaic.version = 14 : i64} {
  func.func @_deg_kernel(%arg0: i32, %arg1: i32, %arg2: memref<32x80x128xi32, #tpu.memory_space<hbm>>, %arg3: memref<2x1x10240xf32, #tpu.memory_space<hbm>>, %arg4: memref<80x128xi32, #tpu.memory_space<vmem>>, %arg5: memref<640xf32, #tpu.memory_space<vmem>>, %arg6: memref<128xf32, #tpu.memory_space<vmem>>, %arg7: memref<10240xf32, #tpu.memory_space<vmem_shared>>) attributes {dimension_semantics = [#tpu.dimension_semantics<core_parallel>, #tpu.dimension_semantics<subcore_parallel>], iteration_bounds = array<i64: 2, 16>, scalar_prefetch = 0 : i64, scratch_operands = 4 : i64, tpu.core_type = #tpu.core_type<sc_vector_subcore>, window_params = [{transform_indices = #map}, {transform_indices = #map}]} {
    %mul3A = arith.constant 16 : i32
    %mul3A_0 = arith.muli %arg0, %mul3A : i32
    %add3A = arith.addi %mul3A_0, %arg1 : i32
    %mul3A_1 = arith.constant 640 : i32
    %mul3A_2 = arith.muli %arg1, %mul3A_1 : i32
    "tpu.region"() ({
      %run_scoped3A_21 = tpu.sem_alloc : memref<!tpu.dma_semaphore, #tpu.memory_space<semaphore_mem>>
      %dma_start3A = arith.constant 0 : i32
      %dma_start3A_22 = arith.constant 0 : i32
      %dma_start3A_23 = tpu.memref_slice %arg2[%add3A, %dma_start3A, %dma_start3A_22] : memref<32x80x128xi32, #tpu.memory_space<hbm>> -> memref<1x80x128xi32, #tpu.memory_space<hbm>>
      %dma_start3A_24 = tpu.memref_squeeze %dma_start3A_23 : memref<1x80x128xi32, #tpu.memory_space<hbm>> -> memref<80x128xi32, #tpu.memory_space<hbm>>
      %dma_start3A_25 = arith.constant 0 : i32
      %dma_start3A_26 = arith.constant 0 : i32
      %dma_start3A_27 = tpu.memref_slice %arg2[%add3A, %dma_start3A_25, %dma_start3A_26] : memref<32x80x128xi32, #tpu.memory_space<hbm>> -> memref<1x80x128xi32, #tpu.memory_space<hbm>>
      %dma_start3A_28 = tpu.memref_squeeze %dma_start3A_27 : memref<1x80x128xi32, #tpu.memory_space<hbm>> -> memref<80x128xi32, #tpu.memory_space<hbm>>
      tpu.enqueue_dma source(%dma_start3A_28 : memref<80x128xi32, #tpu.memory_space<hbm>>) target(%arg4 : memref<80x128xi32, #tpu.memory_space<vmem>>) target_semaphore(%run_scoped3A_21 : memref<!tpu.dma_semaphore, #tpu.memory_space<semaphore_mem>>)
      %dma_wait3A = arith.constant 0 : i32
      %dma_wait3A_29 = arith.constant 0 : i32
      %dma_wait3A_30 = tpu.memref_slice %arg2[%add3A, %dma_wait3A, %dma_wait3A_29] : memref<32x80x128xi32, #tpu.memory_space<hbm>> -> memref<1x80x128xi32, #tpu.memory_space<hbm>>
      %dma_wait3A_31 = tpu.memref_squeeze %dma_wait3A_30 : memref<1x80x128xi32, #tpu.memory_space<hbm>> -> memref<80x128xi32, #tpu.memory_space<hbm>>
      %dma_wait3A_32 = arith.constant 0 : i32
      %dma_wait3A_33 = arith.constant 0 : i32
      %dma_wait3A_34 = tpu.memref_slice %arg2[%add3A, %dma_wait3A_32, %dma_wait3A_33] : memref<32x80x128xi32, #tpu.memory_space<hbm>> -> memref<1x80x128xi32, #tpu.memory_space<hbm>>
      %dma_wait3A_35 = tpu.memref_squeeze %dma_wait3A_34 : memref<1x80x128xi32, #tpu.memory_space<hbm>> -> memref<80x128xi32, #tpu.memory_space<hbm>>
      tpu.wait_dma2 semaphore(%run_scoped3A_21 : memref<!tpu.dma_semaphore, #tpu.memory_space<semaphore_mem>>) src(%dma_wait3A_35 : memref<80x128xi32, #tpu.memory_space<hbm>>) dst(%arg4 : memref<80x128xi32, #tpu.memory_space<vmem>>)
      tpu.yield
    }) : () -> ()
    %scan3A = arith.constant 0 : i32
    %scan3A_3 = arith.constant 0 : i32
    %scan3A_4 = arith.constant 40 : i32
    %scan3A_5 = arith.addi %scan3A_3, %scan3A_4 : i32
    %scan3A_6 = arith.constant 1 : i32
    scf.for %scan3A_21 = %scan3A_3 to %scan3A_5 step %scan3A_6  : i32 {
      %broadcast_in_dim3A = arith.constant 0.000000e+00 : f32
      %broadcast_in_dim3A_22 = vector.broadcast %broadcast_in_dim3A : f32 to vector<16xf32>
      %mul3A_23 = arith.constant 16 : i32
      %mul3A_24 = arith.muli %scan3A_21, %mul3A_23 : i32
      %swap3A = arith.index_cast %mul3A_24 : i32 to index
      %swap3A_25 = tpu.vector_load %arg5[%swap3A] {strides = array<i32>} : memref<640xf32, #tpu.memory_space<vmem>>, vector<16xf32>,
      %swap3A_26 = vector.shape_cast %swap3A_25 : vector<16xf32> to vector<16xf32>
      %swap3A_27 = vector.shape_cast %broadcast_in_dim3A_22 : vector<16xf32> to vector<16xf32>
      tpu.vector_store %arg5[%swap3A], %swap3A_27 {strides = array<i32>} : memref<640xf32, #tpu.memory_space<vmem>>, vector<16xf32>,
    }
    %scan3A_7 = arith.constant 40 : i32
    %scan3A_8 = arith.constant 0 : i32
    %scan3A_9 = arith.constant 0 : i32
    %scan3A_10 = arith.constant 8 : i32
    %scan3A_11 = arith.addi %scan3A_9, %scan3A_10 : i32
    %scan3A_12 = arith.constant 1 : i32
    scf.for %scan3A_21 = %scan3A_9 to %scan3A_11 step %scan3A_12  : i32 {
      %broadcast_in_dim3A = arith.constant 1.000000e+00 : f32
      %broadcast_in_dim3A_22 = vector.broadcast %broadcast_in_dim3A : f32 to vector<16xf32>
      %mul3A_23 = arith.constant 16 : i32
      %mul3A_24 = arith.muli %scan3A_21, %mul3A_23 : i32
      %swap3A = arith.index_cast %mul3A_24 : i32 to index
      %swap3A_25 = tpu.vector_load %arg6[%swap3A] {strides = array<i32>} : memref<128xf32, #tpu.memory_space<vmem>>, vector<16xf32>,
      %swap3A_26 = vector.shape_cast %swap3A_25 : vector<16xf32> to vector<16xf32>
      %swap3A_27 = vector.shape_cast %broadcast_in_dim3A_22 : vector<16xf32> to vector<16xf32>
      tpu.vector_store %arg6[%swap3A], %swap3A_27 {strides = array<i32>} : memref<128xf32, #tpu.memory_space<vmem>>, vector<16xf32>,
    }
    %scan3A_13 = arith.constant 8 : i32
    "tpu.region"() ({
      %run_scoped3A_21 = tpu.sem_alloc : memref<!tpu.dma_semaphore, #tpu.memory_space<semaphore_mem>>
      %dma_start3A = tpu.memref_slice %arg7[%mul3A_2] : memref<10240xf32, #tpu.memory_space<vmem_shared>> -> memref<640xf32, #tpu.memory_space<vmem_shared>>
      %dma_start3A_22 = tpu.memref_slice %arg7[%mul3A_2] : memref<10240xf32, #tpu.memory_space<vmem_shared>> -> memref<640xf32, #tpu.memory_space<vmem_shared>>
      tpu.enqueue_dma source(%arg5 : memref<640xf32, #tpu.memory_space<vmem>>) target(%dma_start3A_22 : memref<640xf32, #tpu.memory_space<vmem_shared>>) target_semaphore(%run_scoped3A_21 : memref<!tpu.dma_semaphore, #tpu.memory_space<semaphore_mem>>)
      %dma_wait3A = tpu.memref_slice %arg7[%mul3A_2] : memref<10240xf32, #tpu.memory_space<vmem_shared>> -> memref<640xf32, #tpu.memory_space<vmem_shared>>
      %dma_wait3A_23 = tpu.memref_slice %arg7[%mul3A_2] : memref<10240xf32, #tpu.memory_space<vmem_shared>> -> memref<640xf32, #tpu.memory_space<vmem_shared>>
      tpu.wait_dma2 semaphore(%run_scoped3A_21 : memref<!tpu.dma_semaphore, #tpu.memory_space<semaphore_mem>>) src(%arg5 : memref<640xf32, #tpu.memory_space<vmem>>) dst(%dma_wait3A_23 : memref<640xf32, #tpu.memory_space<vmem_shared>>)
      tpu.yield
    }) : () -> ()
    %barrier3A = arith.constant 0 : index
    tpu.barrier barrier_id(%barrier3A)
    %scan3A_14 = arith.constant 0 : i32
    %scan3A_15 = arith.constant 0 : i32
    %scan3A_16 = arith.constant 80 : i32
    %scan3A_17 = arith.addi %scan3A_15, %scan3A_16 : i32
    %scan3A_18 = arith.constant 1 : i32
    scf.for %scan3A_21 = %scan3A_15 to %scan3A_17 step %scan3A_18  : i32 {
      "tpu.region"() ({
        %run_scoped3A_22 = tpu.sem_alloc : memref<!tpu.dma_semaphore, #tpu.memory_space<semaphore_mem>>
        %dma_start3A = arith.constant 0 : i32
        %dma_start3A_23 = tpu.memref_slice %arg4[%scan3A_21, %dma_start3A] : memref<80x128xi32, #tpu.memory_space<vmem>> -> memref<1x128xi32, #tpu.memory_space<vmem>>
        %dma_start3A_24 = tpu.memref_squeeze %dma_start3A_23 : memref<1x128xi32, #tpu.memory_space<vmem>> -> memref<128xi32, #tpu.memory_space<vmem>>
        %dma_start3A_25 = arith.constant 0 : i32
        %dma_start3A_26 = tpu.memref_slice %arg7[%dma_start3A_25] : memref<10240xf32, #tpu.memory_space<vmem_shared>> -> memref<10240xf32, #tpu.memory_space<vmem_shared>>
        tpu.enqueue_indirect_dma source(%arg6 : memref<128xf32, #tpu.memory_space<vmem>>) target(%dma_start3A_26 : memref<10240xf32, #tpu.memory_space<vmem_shared>>) offsets(%dma_start3A_24 : memref<128xi32, #tpu.memory_space<vmem>>) semaphore(%run_scoped3A_22 : memref<!tpu.dma_semaphore, #tpu.memory_space<semaphore_mem>>) {add = true}
        %dma_wait3A = arith.constant 0 : i32
        %dma_wait3A_27 = tpu.memref_slice %arg4[%scan3A_21, %dma_wait3A] : memref<80x128xi32, #tpu.memory_space<vmem>> -> memref<1x128xi32, #tpu.memory_space<vmem>>
        %dma_wait3A_28 = tpu.memref_squeeze %dma_wait3A_27 : memref<1x128xi32, #tpu.memory_space<vmem>> -> memref<128xi32, #tpu.memory_space<vmem>>
        %dma_wait3A_29 = arith.constant 0 : i32
        %dma_wait3A_30 = tpu.memref_slice %arg7[%dma_wait3A_29] : memref<10240xf32, #tpu.memory_space<vmem_shared>> -> memref<10240xf32, #tpu.memory_space<vmem_shared>>
        tpu.wait_indirect_dma semaphore(%run_scoped3A_22 : memref<!tpu.dma_semaphore, #tpu.memory_space<semaphore_mem>>) src(%arg6 : memref<128xf32, #tpu.memory_space<vmem>>) dst(%dma_wait3A_30 : memref<10240xf32, #tpu.memory_space<vmem_shared>>)
        tpu.yield
      }) : () -> ()
    }
    %scan3A_19 = arith.constant 80 : i32
    %barrier3A_20 = arith.constant 0 : index
    tpu.barrier barrier_id(%barrier3A_20)
    %run_scoped3A = arith.constant 0 : i32
    "tpu.region"() ({
      %run_scoped3A_21 = tpu.sem_alloc : memref<!tpu.dma_semaphore, #tpu.memory_space<semaphore_mem>>
      %dma_start3A = tpu.memref_slice %arg3[%arg0, %run_scoped3A, %mul3A_2] : memref<2x1x10240xf32, #tpu.memory_space<hbm>> -> memref<1x1x640xf32, #tpu.memory_space<hbm>>
      %dma_start3A_22 = tpu.memref_squeeze %dma_start3A : memref<1x1x640xf32, #tpu.memory_space<hbm>> -> memref<640xf32, #tpu.memory_space<hbm>>
      %dma_start3A_23 = tpu.memref_slice %arg7[%mul3A_2] : memref<10240xf32, #tpu.memory_space<vmem_shared>> -> memref<640xf32, #tpu.memory_space<vmem_shared>>
      tpu.enqueue_dma source(%dma_start3A_23 : memref<640xf32, #tpu.memory_space<vmem_shared>>) target(%dma_start3A_22 : memref<640xf32, #tpu.memory_space<hbm>>) target_semaphore(%run_scoped3A_21 : memref<!tpu.dma_semaphore, #tpu.memory_space<semaphore_mem>>)
      %dma_wait3A = tpu.memref_slice %arg3[%arg0, %run_scoped3A, %mul3A_2] : memref<2x1x10240xf32, #tpu.memory_space<hbm>> -> memref<1x1x640xf32, #tpu.memory_space<hbm>>
      %dma_wait3A_24 = tpu.memref_squeeze %dma_wait3A : memref<1x1x640xf32, #tpu.memory_space<hbm>> -> memref<640xf32, #tpu.memory_space<hbm>>
      %dma_wait3A_25 = tpu.memref_slice %arg7[%mul3A_2] : memref<10240xf32, #tpu.memory_space<vmem_shared>> -> memref<640xf32, #tpu.memory_space<vmem_shared>>
      tpu.wait_dma2 semaphore(%run_scoped3A_21 : memref<!tpu.dma_semaphore, #tpu.memory_space<semaphore_mem>>) src(%dma_wait3A_25 : memref<640xf32, #tpu.memory_space<vmem_shared>>) dst(%dma_wait3A_24 : memref<640xf32, #tpu.memory_space<hbm>>)
      tpu.yield
    }) : () -> ()
    return
  }
}

#map = affine_map<(d0, d1) -> (0, 0, 0)>
#map1 = affine_map<(d0, d1) -> (0)>
#map2 = affine_map<(d0, d1) -> (0, 0)>
module attributes {stable_mosaic.version = 14 : i64} {
  func.func @_agg_kernel(%arg0: i32, %arg1: i32, %arg2: memref<32x80x128xi32, #tpu.memory_space<hbm>>, %arg3: memref<327680xi32, #tpu.memory_space<hbm>>, %arg4: memref<10000x128xf32, #tpu.memory_space<hbm>>, %arg5: memref<640x128xf32, #tpu.memory_space<hbm>>, %arg6: memref<2x10000x128xf32, #tpu.memory_space<hbm>>, %arg7: memref<80x128xi32, #tpu.memory_space<vmem>>, %arg8: memref<128xi32, #tpu.memory_space<vmem>>, %arg9: memref<128xi32, #tpu.memory_space<vmem>>, %arg10: memref<128x128xf32, #tpu.memory_space<vmem>>, %arg11: memref<128x128xf32, #tpu.memory_space<vmem>>, %arg12: memref<10128x128xf32, #tpu.memory_space<vmem_shared>>, %arg13: memref<!tpu.dma_semaphore, #tpu.memory_space<semaphore_mem>>, %arg14: memref<!tpu.dma_semaphore, #tpu.memory_space<semaphore_mem>>, %arg15: memref<!tpu.dma_semaphore, #tpu.memory_space<semaphore_mem>>, %arg16: memref<!tpu.dma_semaphore, #tpu.memory_space<semaphore_mem>>) attributes {dimension_semantics = [#tpu.dimension_semantics<core_parallel>, #tpu.dimension_semantics<subcore_parallel>], iteration_bounds = array<i64: 2, 16>, scalar_prefetch = 0 : i64, scratch_operands = 10 : i64, tpu.core_type = #tpu.core_type<sc_vector_subcore>, window_params = [{transform_indices = #map}, {transform_indices = #map1}, {transform_indices = #map2}, {transform_indices = #map2}, {transform_indices = #map}]} {
    %mul3A = arith.constant 16 : i32
    %mul3A_0 = arith.muli %arg0, %mul3A : i32
    %add3A = arith.addi %mul3A_0, %arg1 : i32
    %mul3A_1 = arith.constant 640 : i32
    %mul3A_2 = arith.muli %arg1, %mul3A_1 : i32
    %mul3A_3 = arith.constant 10240 : i32
    %mul3A_4 = arith.muli %add3A, %mul3A_3 : i32
    "tpu.region"() ({
      %run_scoped3A = tpu.sem_alloc : memref<!tpu.dma_semaphore, #tpu.memory_space<semaphore_mem>>
      %dma_start3A_48 = arith.constant 0 : i32
      %dma_start3A_49 = arith.constant 0 : i32
      %dma_start3A_50 = tpu.memref_slice %arg2[%add3A, %dma_start3A_48, %dma_start3A_49] : memref<32x80x128xi32, #tpu.memory_space<hbm>> -> memref<1x80x128xi32, #tpu.memory_space<hbm>>
      %dma_start3A_51 = tpu.memref_squeeze %dma_start3A_50 : memref<1x80x128xi32, #tpu.memory_space<hbm>> -> memref<80x128xi32, #tpu.memory_space<hbm>>
      %dma_start3A_52 = arith.constant 0 : i32
      %dma_start3A_53 = arith.constant 0 : i32
      %dma_start3A_54 = tpu.memref_slice %arg2[%add3A, %dma_start3A_52, %dma_start3A_53] : memref<32x80x128xi32, #tpu.memory_space<hbm>> -> memref<1x80x128xi32, #tpu.memory_space<hbm>>
      %dma_start3A_55 = tpu.memref_squeeze %dma_start3A_54 : memref<1x80x128xi32, #tpu.memory_space<hbm>> -> memref<80x128xi32, #tpu.memory_space<hbm>>
      tpu.enqueue_dma source(%dma_start3A_55 : memref<80x128xi32, #tpu.memory_space<hbm>>) target(%arg7 : memref<80x128xi32, #tpu.memory_space<vmem>>) target_semaphore(%run_scoped3A : memref<!tpu.dma_semaphore, #tpu.memory_space<semaphore_mem>>)
      %dma_wait3A = arith.constant 0 : i32
      %dma_wait3A_56 = arith.constant 0 : i32
      %dma_wait3A_57 = tpu.memref_slice %arg2[%add3A, %dma_wait3A, %dma_wait3A_56] : memref<32x80x128xi32, #tpu.memory_space<hbm>> -> memref<1x80x128xi32, #tpu.memory_space<hbm>>
      %dma_wait3A_58 = tpu.memref_squeeze %dma_wait3A_57 : memref<1x80x128xi32, #tpu.memory_space<hbm>> -> memref<80x128xi32, #tpu.memory_space<hbm>>
      %dma_wait3A_59 = arith.constant 0 : i32
      %dma_wait3A_60 = arith.constant 0 : i32
      %dma_wait3A_61 = tpu.memref_slice %arg2[%add3A, %dma_wait3A_59, %dma_wait3A_60] : memref<32x80x128xi32, #tpu.memory_space<hbm>> -> memref<1x80x128xi32, #tpu.memory_space<hbm>>
      %dma_wait3A_62 = tpu.memref_squeeze %dma_wait3A_61 : memref<1x80x128xi32, #tpu.memory_space<hbm>> -> memref<80x128xi32, #tpu.memory_space<hbm>>
      tpu.wait_dma2 semaphore(%run_scoped3A : memref<!tpu.dma_semaphore, #tpu.memory_space<semaphore_mem>>) src(%dma_wait3A_62 : memref<80x128xi32, #tpu.memory_space<hbm>>) dst(%arg7 : memref<80x128xi32, #tpu.memory_space<vmem>>)
      tpu.yield
    }) : () -> ()
    %add3A_5 = arith.constant 0 : i32
    %add3A_6 = arith.addi %mul3A_4, %add3A_5 : i32
    %dma_start3A = tpu.memref_slice %arg3[%add3A_6] : memref<327680xi32, #tpu.memory_space<hbm>> -> memref<128xi32, #tpu.memory_space<hbm>>
    %dma_start3A_7 = tpu.memref_slice %arg3[%add3A_6] : memref<327680xi32, #tpu.memory_space<hbm>> -> memref<128xi32, #tpu.memory_space<hbm>>
    tpu.enqueue_dma source(%dma_start3A_7 : memref<128xi32, #tpu.memory_space<hbm>>) target(%arg8 : memref<128xi32, #tpu.memory_space<vmem>>) target_semaphore(%arg15 : memref<!tpu.dma_semaphore, #tpu.memory_space<semaphore_mem>>)
    %dma_start3A_8 = arith.constant 0 : i32
    %dma_start3A_9 = arith.constant 0 : i32
    %dma_start3A_10 = tpu.memref_slice %arg7[%dma_start3A_8, %dma_start3A_9] : memref<80x128xi32, #tpu.memory_space<vmem>> -> memref<1x128xi32, #tpu.memory_space<vmem>>
    %dma_start3A_11 = tpu.memref_squeeze %dma_start3A_10 : memref<1x128xi32, #tpu.memory_space<vmem>> -> memref<128xi32, #tpu.memory_space<vmem>>
    %dma_start3A_12 = arith.constant 0 : i32
    %dma_start3A_13 = arith.constant 0 : i32
    %dma_start3A_14 = tpu.memref_slice %arg4[%dma_start3A_12, %dma_start3A_13] : memref<10000x128xf32, #tpu.memory_space<hbm>> -> memref<10000x128xf32, #tpu.memory_space<hbm>>
    tpu.enqueue_indirect_dma source(%dma_start3A_14 : memref<10000x128xf32, #tpu.memory_space<hbm>>) target(%arg10 : memref<128x128xf32, #tpu.memory_space<vmem>>) offsets(%dma_start3A_11 : memref<128xi32, #tpu.memory_space<vmem>>) semaphore(%arg13 : memref<!tpu.dma_semaphore, #tpu.memory_space<semaphore_mem>>)
    %add3A_15 = arith.constant 128 : i32
    %add3A_16 = arith.addi %mul3A_4, %add3A_15 : i32
    %dma_start3A_17 = tpu.memref_slice %arg3[%add3A_16] : memref<327680xi32, #tpu.memory_space<hbm>> -> memref<128xi32, #tpu.memory_space<hbm>>
    %dma_start3A_18 = tpu.memref_slice %arg3[%add3A_16] : memref<327680xi32, #tpu.memory_space<hbm>> -> memref<128xi32, #tpu.memory_space<hbm>>
    tpu.enqueue_dma source(%dma_start3A_18 : memref<128xi32, #tpu.memory_space<hbm>>) target(%arg9 : memref<128xi32, #tpu.memory_space<vmem>>) target_semaphore(%arg16 : memref<!tpu.dma_semaphore, #tpu.memory_space<semaphore_mem>>)
    %dma_start3A_19 = arith.constant 1 : i32
    %dma_start3A_20 = arith.constant 0 : i32
    %dma_start3A_21 = tpu.memref_slice %arg7[%dma_start3A_19, %dma_start3A_20] : memref<80x128xi32, #tpu.memory_space<vmem>> -> memref<1x128xi32, #tpu.memory_space<vmem>>
    %dma_start3A_22 = tpu.memref_squeeze %dma_start3A_21 : memref<1x128xi32, #tpu.memory_space<vmem>> -> memref<128xi32, #tpu.memory_space<vmem>>
    %dma_start3A_23 = arith.constant 0 : i32
    %dma_start3A_24 = arith.constant 0 : i32
    %dma_start3A_25 = tpu.memref_slice %arg4[%dma_start3A_23, %dma_start3A_24] : memref<10000x128xf32, #tpu.memory_space<hbm>> -> memref<10000x128xf32, #tpu.memory_space<hbm>>
    tpu.enqueue_indirect_dma source(%dma_start3A_25 : memref<10000x128xf32, #tpu.memory_space<hbm>>) target(%arg11 : memref<128x128xf32, #tpu.memory_space<vmem>>) offsets(%dma_start3A_22 : memref<128xi32, #tpu.memory_space<vmem>>) semaphore(%arg14 : memref<!tpu.dma_semaphore, #tpu.memory_space<semaphore_mem>>)
    %lt3A = arith.constant 15 : i32
    %lt3A_26 = arith.cmpi slt, %arg1, %lt3A : i32
    %convert_element_type3A = arith.extui %lt3A_26 : i1 to i32
    %cond3A = arith.constant 0 : i32
    %cond3A_27 = arith.cmpi ne, %convert_element_type3A, %cond3A : i32
    scf.if %cond3A_27 {
      %eq3A_48 = arith.constant 0 : i32
      %eq3A_49 = arith.cmpi eq, %arg0, %eq3A_48 : i32
      %convert_element_type3A_50 = arith.extui %eq3A_49 : i1 to i32
      %cond3A_51 = arith.constant 0 : i32
      %cond3A_52 = arith.cmpi ne, %convert_element_type3A_50, %cond3A_51 : i32
      scf.if %cond3A_52 {
        "tpu.region"() ({
          %run_scoped3A = tpu.sem_alloc : memref<!tpu.dma_semaphore, #tpu.memory_space<semaphore_mem>>
          %dma_start3A_57 = arith.constant 0 : i32
          %dma_start3A_58 = tpu.memref_slice %arg12[%mul3A_2, %dma_start3A_57] : memref<10128x128xf32, #tpu.memory_space<vmem_shared>> -> memref<640x128xf32, #tpu.memory_space<vmem_shared>>
          %dma_start3A_59 = arith.constant 0 : i32
          %dma_start3A_60 = tpu.memref_slice %arg4[%mul3A_2, %dma_start3A_59] : memref<10000x128xf32, #tpu.memory_space<hbm>> -> memref<640x128xf32, #tpu.memory_space<hbm>>
          tpu.enqueue_dma source(%dma_start3A_60 : memref<640x128xf32, #tpu.memory_space<hbm>>) target(%dma_start3A_58 : memref<640x128xf32, #tpu.memory_space<vmem_shared>>) target_semaphore(%run_scoped3A : memref<!tpu.dma_semaphore, #tpu.memory_space<semaphore_mem>>)
          %dma_wait3A = arith.constant 0 : i32
          %dma_wait3A_61 = tpu.memref_slice %arg12[%mul3A_2, %dma_wait3A] : memref<10128x128xf32, #tpu.memory_space<vmem_shared>> -> memref<640x128xf32, #tpu.memory_space<vmem_shared>>
          %dma_wait3A_62 = arith.constant 0 : i32
          %dma_wait3A_63 = tpu.memref_slice %arg4[%mul3A_2, %dma_wait3A_62] : memref<10000x128xf32, #tpu.memory_space<hbm>> -> memref<640x128xf32, #tpu.memory_space<hbm>>
          tpu.wait_dma2 semaphore(%run_scoped3A : memref<!tpu.dma_semaphore, #tpu.memory_space<semaphore_mem>>) src(%dma_wait3A_63 : memref<640x128xf32, #tpu.memory_space<hbm>>) dst(%dma_wait3A_61 : memref<640x128xf32, #tpu.memory_space<vmem_shared>>)
          tpu.yield
        }) : () -> ()
      } else {
      }
      %ne3A = arith.constant 0 : i32
      %ne3A_53 = arith.cmpi ne, %arg0, %ne3A : i32
      %convert_element_type3A_54 = arith.extui %ne3A_53 : i1 to i32
      %cond3A_55 = arith.constant 0 : i32
      %cond3A_56 = arith.cmpi ne, %convert_element_type3A_54, %cond3A_55 : i32
      scf.if %cond3A_56 {
        "tpu.region"() ({
          %run_scoped3A = tpu.sem_alloc : memref<!tpu.dma_semaphore, #tpu.memory_space<semaphore_mem>>
          %dma_start3A_57 = arith.constant 0 : i32
          %dma_start3A_58 = tpu.memref_slice %arg12[%mul3A_2, %dma_start3A_57] : memref<10128x128xf32, #tpu.memory_space<vmem_shared>> -> memref<640x128xf32, #tpu.memory_space<vmem_shared>>
          %dma_start3A_59 = arith.constant 0 : i32
          %dma_start3A_60 = arith.constant 0 : i32
          %dma_start3A_61 = tpu.memref_slice %arg5[%dma_start3A_59, %dma_start3A_60] : memref<640x128xf32, #tpu.memory_space<hbm>> -> memref<640x128xf32, #tpu.memory_space<hbm>>
          tpu.enqueue_dma source(%dma_start3A_61 : memref<640x128xf32, #tpu.memory_space<hbm>>) target(%dma_start3A_58 : memref<640x128xf32, #tpu.memory_space<vmem_shared>>) target_semaphore(%run_scoped3A : memref<!tpu.dma_semaphore, #tpu.memory_space<semaphore_mem>>)
          %dma_wait3A = arith.constant 0 : i32
          %dma_wait3A_62 = tpu.memref_slice %arg12[%mul3A_2, %dma_wait3A] : memref<10128x128xf32, #tpu.memory_space<vmem_shared>> -> memref<640x128xf32, #tpu.memory_space<vmem_shared>>
          %dma_wait3A_63 = arith.constant 0 : i32
          %dma_wait3A_64 = arith.constant 0 : i32
          %dma_wait3A_65 = tpu.memref_slice %arg5[%dma_wait3A_63, %dma_wait3A_64] : memref<640x128xf32, #tpu.memory_space<hbm>> -> memref<640x128xf32, #tpu.memory_space<hbm>>
          tpu.wait_dma2 semaphore(%run_scoped3A : memref<!tpu.dma_semaphore, #tpu.memory_space<semaphore_mem>>) src(%dma_wait3A_65 : memref<640x128xf32, #tpu.memory_space<hbm>>) dst(%dma_wait3A_62 : memref<640x128xf32, #tpu.memory_space<vmem_shared>>)
          tpu.yield
        }) : () -> ()
      } else {
      }
    } else {
    }
    %eq3A = arith.constant 15 : i32
    %eq3A_28 = arith.cmpi eq, %arg1, %eq3A : i32
    %convert_element_type3A_29 = arith.extui %eq3A_28 : i1 to i32
    %cond3A_30 = arith.constant 0 : i32
    %cond3A_31 = arith.cmpi ne, %convert_element_type3A_29, %cond3A_30 : i32
    scf.if %cond3A_31 {
      %eq3A_48 = arith.constant 0 : i32
      %eq3A_49 = arith.cmpi eq, %arg0, %eq3A_48 : i32
      %convert_element_type3A_50 = arith.extui %eq3A_49 : i1 to i32
      %cond3A_51 = arith.constant 0 : i32
      %cond3A_52 = arith.cmpi ne, %convert_element_type3A_50, %cond3A_51 : i32
      scf.if %cond3A_52 {
        "tpu.region"() ({
          %run_scoped3A = tpu.sem_alloc : memref<!tpu.dma_semaphore, #tpu.memory_space<semaphore_mem>>
          %dma_start3A_57 = arith.constant 0 : i32
          %dma_start3A_58 = tpu.memref_slice %arg12[%mul3A_2, %dma_start3A_57] : memref<10128x128xf32, #tpu.memory_space<vmem_shared>> -> memref<400x128xf32, #tpu.memory_space<vmem_shared>>
          %dma_start3A_59 = arith.constant 0 : i32
          %dma_start3A_60 = tpu.memref_slice %arg4[%mul3A_2, %dma_start3A_59] : memref<10000x128xf32, #tpu.memory_space<hbm>> -> memref<400x128xf32, #tpu.memory_space<hbm>>
          tpu.enqueue_dma source(%dma_start3A_60 : memref<400x128xf32, #tpu.memory_space<hbm>>) target(%dma_start3A_58 : memref<400x128xf32, #tpu.memory_space<vmem_shared>>) target_semaphore(%run_scoped3A : memref<!tpu.dma_semaphore, #tpu.memory_space<semaphore_mem>>)
          %dma_wait3A = arith.constant 0 : i32
          %dma_wait3A_61 = tpu.memref_slice %arg12[%mul3A_2, %dma_wait3A] : memref<10128x128xf32, #tpu.memory_space<vmem_shared>> -> memref<400x128xf32, #tpu.memory_space<vmem_shared>>
          %dma_wait3A_62 = arith.constant 0 : i32
          %dma_wait3A_63 = tpu.memref_slice %arg4[%mul3A_2, %dma_wait3A_62] : memref<10000x128xf32, #tpu.memory_space<hbm>> -> memref<400x128xf32, #tpu.memory_space<hbm>>
          tpu.wait_dma2 semaphore(%run_scoped3A : memref<!tpu.dma_semaphore, #tpu.memory_space<semaphore_mem>>) src(%dma_wait3A_63 : memref<400x128xf32, #tpu.memory_space<hbm>>) dst(%dma_wait3A_61 : memref<400x128xf32, #tpu.memory_space<vmem_shared>>)
          tpu.yield
        }) : () -> ()
      } else {
      }
      %ne3A = arith.constant 0 : i32
      %ne3A_53 = arith.cmpi ne, %arg0, %ne3A : i32
      %convert_element_type3A_54 = arith.extui %ne3A_53 : i1 to i32
      %cond3A_55 = arith.constant 0 : i32
      %cond3A_56 = arith.cmpi ne, %convert_element_type3A_54, %cond3A_55 : i32
      scf.if %cond3A_56 {
        "tpu.region"() ({
          %run_scoped3A = tpu.sem_alloc : memref<!tpu.dma_semaphore, #tpu.memory_space<semaphore_mem>>
          %dma_start3A_57 = arith.constant 0 : i32
          %dma_start3A_58 = tpu.memref_slice %arg12[%mul3A_2, %dma_start3A_57] : memref<10128x128xf32, #tpu.memory_space<vmem_shared>> -> memref<400x128xf32, #tpu.memory_space<vmem_shared>>
          %dma_start3A_59 = arith.constant 0 : i32
          %dma_start3A_60 = arith.constant 0 : i32
          %dma_start3A_61 = tpu.memref_slice %arg5[%dma_start3A_59, %dma_start3A_60] : memref<640x128xf32, #tpu.memory_space<hbm>> -> memref<400x128xf32, #tpu.memory_space<hbm>>
          tpu.enqueue_dma source(%dma_start3A_61 : memref<400x128xf32, #tpu.memory_space<hbm>>) target(%dma_start3A_58 : memref<400x128xf32, #tpu.memory_space<vmem_shared>>) target_semaphore(%run_scoped3A : memref<!tpu.dma_semaphore, #tpu.memory_space<semaphore_mem>>)
          %dma_wait3A = arith.constant 0 : i32
          %dma_wait3A_62 = tpu.memref_slice %arg12[%mul3A_2, %dma_wait3A] : memref<10128x128xf32, #tpu.memory_space<vmem_shared>> -> memref<400x128xf32, #tpu.memory_space<vmem_shared>>
          %dma_wait3A_63 = arith.constant 0 : i32
          %dma_wait3A_64 = arith.constant 0 : i32
          %dma_wait3A_65 = tpu.memref_slice %arg5[%dma_wait3A_63, %dma_wait3A_64] : memref<640x128xf32, #tpu.memory_space<hbm>> -> memref<400x128xf32, #tpu.memory_space<hbm>>
          tpu.wait_dma2 semaphore(%run_scoped3A : memref<!tpu.dma_semaphore, #tpu.memory_space<semaphore_mem>>) src(%dma_wait3A_65 : memref<400x128xf32, #tpu.memory_space<hbm>>) dst(%dma_wait3A_62 : memref<400x128xf32, #tpu.memory_space<vmem_shared>>)
          tpu.yield
        }) : () -> ()
      } else {
      }
    } else {
    }
    %barrier3A = arith.constant 0 : index
    tpu.barrier barrier_id(%barrier3A)
    %scan3A = arith.constant 0 : i32
    %scan3A_32 = arith.constant 0 : i32
    %scan3A_33 = arith.constant 40 : i32
    %scan3A_34 = arith.addi %scan3A_32, %scan3A_33 : i32
    %scan3A_35 = arith.constant 1 : i32
    scf.for %scan3A_48 = %scan3A_32 to %scan3A_34 step %scan3A_35  : i32 {
      %mul3A_49 = arith.constant 2 : i32
      %mul3A_50 = arith.muli %mul3A_49, %scan3A_48 : i32
      %dma_wait3A = arith.constant 0 : i32
      %dma_wait3A_51 = tpu.memref_slice %arg3[%dma_wait3A] : memref<327680xi32, #tpu.memory_space<hbm>> -> memref<128xi32, #tpu.memory_space<hbm>>
      %dma_wait3A_52 = arith.constant 0 : i32
      %dma_wait3A_53 = tpu.memref_slice %arg3[%dma_wait3A_52] : memref<327680xi32, #tpu.memory_space<hbm>> -> memref<128xi32, #tpu.memory_space<hbm>>
      tpu.wait_dma2 semaphore(%arg15 : memref<!tpu.dma_semaphore, #tpu.memory_space<semaphore_mem>>) src(%dma_wait3A_53 : memref<128xi32, #tpu.memory_space<hbm>>) dst(%arg8 : memref<128xi32, #tpu.memory_space<vmem>>)
      %dma_wait3A_54 = arith.constant 0 : i32
      %dma_wait3A_55 = arith.constant 0 : i32
      %dma_wait3A_56 = tpu.memref_slice %arg7[%dma_wait3A_54, %dma_wait3A_55] : memref<80x128xi32, #tpu.memory_space<vmem>> -> memref<1x128xi32, #tpu.memory_space<vmem>>
      %dma_wait3A_57 = tpu.memref_squeeze %dma_wait3A_56 : memref<1x128xi32, #tpu.memory_space<vmem>> -> memref<128xi32, #tpu.memory_space<vmem>>
      %dma_wait3A_58 = arith.constant 0 : i32
      %dma_wait3A_59 = arith.constant 0 : i32
      %dma_wait3A_60 = tpu.memref_slice %arg4[%dma_wait3A_58, %dma_wait3A_59] : memref<10000x128xf32, #tpu.memory_space<hbm>> -> memref<10000x128xf32, #tpu.memory_space<hbm>>
      tpu.wait_indirect_dma semaphore(%arg13 : memref<!tpu.dma_semaphore, #tpu.memory_space<semaphore_mem>>) src(%dma_wait3A_60 : memref<10000x128xf32, #tpu.memory_space<hbm>>) dst(%arg10 : memref<128x128xf32, #tpu.memory_space<vmem>>)
      "tpu.region"() ({
        %run_scoped3A = tpu.sem_alloc : memref<!tpu.dma_semaphore, #tpu.memory_space<semaphore_mem>>
        %dma_start3A_82 = arith.constant 0 : i32
        %dma_start3A_83 = arith.constant 0 : i32
        %dma_start3A_84 = tpu.memref_slice %arg12[%dma_start3A_82, %dma_start3A_83] : memref<10128x128xf32, #tpu.memory_space<vmem_shared>> -> memref<10128x128xf32, #tpu.memory_space<vmem_shared>>
        tpu.enqueue_indirect_dma source(%arg10 : memref<128x128xf32, #tpu.memory_space<vmem>>) target(%dma_start3A_84 : memref<10128x128xf32, #tpu.memory_space<vmem_shared>>) offsets(%arg8 : memref<128xi32, #tpu.memory_space<vmem>>) semaphore(%run_scoped3A : memref<!tpu.dma_semaphore, #tpu.memory_space<semaphore_mem>>) {add = true}
        %dma_wait3A_85 = arith.constant 0 : i32
        %dma_wait3A_86 = arith.constant 0 : i32
        %dma_wait3A_87 = tpu.memref_slice %arg12[%dma_wait3A_85, %dma_wait3A_86] : memref<10128x128xf32, #tpu.memory_space<vmem_shared>> -> memref<10128x128xf32, #tpu.memory_space<vmem_shared>>
        tpu.wait_indirect_dma semaphore(%run_scoped3A : memref<!tpu.dma_semaphore, #tpu.memory_space<semaphore_mem>>) src(%arg10 : memref<128x128xf32, #tpu.memory_space<vmem>>) dst(%dma_wait3A_87 : memref<10128x128xf32, #tpu.memory_space<vmem_shared>>)
        tpu.yield
      }) : () -> ()
      %lt3A_61 = arith.constant 39 : i32
      %lt3A_62 = arith.cmpi slt, %scan3A_48, %lt3A_61 : i32
      %convert_element_type3A_63 = arith.extui %lt3A_62 : i1 to i32
      %cond3A_64 = arith.constant 0 : i32
      %cond3A_65 = arith.cmpi ne, %convert_element_type3A_63, %cond3A_64 : i32
      scf.if %cond3A_65 {
        %add3A_82 = arith.constant 2 : i32
        %add3A_83 = arith.addi %mul3A_50, %add3A_82 : i32
        %mul3A_84 = arith.constant 128 : i32
        %mul3A_85 = arith.muli %add3A_83, %mul3A_84 : i32
        %add3A_86 = arith.addi %mul3A_4, %mul3A_85 : i32
        %dma_start3A_87 = tpu.memref_slice %arg3[%add3A_86] : memref<327680xi32, #tpu.memory_space<hbm>> -> memref<128xi32, #tpu.memory_space<hbm>>
        %dma_start3A_88 = tpu.memref_slice %arg3[%add3A_86] : memref<327680xi32, #tpu.memory_space<hbm>> -> memref<128xi32, #tpu.memory_space<hbm>>
        tpu.enqueue_dma source(%dma_start3A_88 : memref<128xi32, #tpu.memory_space<hbm>>) target(%arg8 : memref<128xi32, #tpu.memory_space<vmem>>) target_semaphore(%arg15 : memref<!tpu.dma_semaphore, #tpu.memory_space<semaphore_mem>>)
        %dma_start3A_89 = arith.constant 0 : i32
        %dma_start3A_90 = tpu.memref_slice %arg7[%add3A_83, %dma_start3A_89] : memref<80x128xi32, #tpu.memory_space<vmem>> -> memref<1x128xi32, #tpu.memory_space<vmem>>
        %dma_start3A_91 = tpu.memref_squeeze %dma_start3A_90 : memref<1x128xi32, #tpu.memory_space<vmem>> -> memref<128xi32, #tpu.memory_space<vmem>>
        %dma_start3A_92 = arith.constant 0 : i32
        %dma_start3A_93 = arith.constant 0 : i32
        %dma_start3A_94 = tpu.memref_slice %arg4[%dma_start3A_92, %dma_start3A_93] : memref<10000x128xf32, #tpu.memory_space<hbm>> -> memref<10000x128xf32, #tpu.memory_space<hbm>>
        tpu.enqueue_indirect_dma source(%dma_start3A_94 : memref<10000x128xf32, #tpu.memory_space<hbm>>) target(%arg10 : memref<128x128xf32, #tpu.memory_space<vmem>>) offsets(%dma_start3A_91 : memref<128xi32, #tpu.memory_space<vmem>>) semaphore(%arg13 : memref<!tpu.dma_semaphore, #tpu.memory_space<semaphore_mem>>)
      } else {
      }
      %dma_wait3A_66 = arith.constant 0 : i32
      %dma_wait3A_67 = tpu.memref_slice %arg3[%dma_wait3A_66] : memref<327680xi32, #tpu.memory_space<hbm>> -> memref<128xi32, #tpu.memory_space<hbm>>
      %dma_wait3A_68 = arith.constant 0 : i32
      %dma_wait3A_69 = tpu.memref_slice %arg3[%dma_wait3A_68] : memref<327680xi32, #tpu.memory_space<hbm>> -> memref<128xi32, #tpu.memory_space<hbm>>
      tpu.wait_dma2 semaphore(%arg16 : memref<!tpu.dma_semaphore, #tpu.memory_space<semaphore_mem>>) src(%dma_wait3A_69 : memref<128xi32, #tpu.memory_space<hbm>>) dst(%arg9 : memref<128xi32, #tpu.memory_space<vmem>>)
      %dma_wait3A_70 = arith.constant 0 : i32
      %dma_wait3A_71 = arith.constant 0 : i32
      %dma_wait3A_72 = tpu.memref_slice %arg7[%dma_wait3A_70, %dma_wait3A_71] : memref<80x128xi32, #tpu.memory_space<vmem>> -> memref<1x128xi32, #tpu.memory_space<vmem>>
      %dma_wait3A_73 = tpu.memref_squeeze %dma_wait3A_72 : memref<1x128xi32, #tpu.memory_space<vmem>> -> memref<128xi32, #tpu.memory_space<vmem>>
      %dma_wait3A_74 = arith.constant 0 : i32
      %dma_wait3A_75 = arith.constant 0 : i32
      %dma_wait3A_76 = tpu.memref_slice %arg4[%dma_wait3A_74, %dma_wait3A_75] : memref<10000x128xf32, #tpu.memory_space<hbm>> -> memref<10000x128xf32, #tpu.memory_space<hbm>>
      tpu.wait_indirect_dma semaphore(%arg14 : memref<!tpu.dma_semaphore, #tpu.memory_space<semaphore_mem>>) src(%dma_wait3A_76 : memref<10000x128xf32, #tpu.memory_space<hbm>>) dst(%arg11 : memref<128x128xf32, #tpu.memory_space<vmem>>)
      "tpu.region"() ({
        %run_scoped3A = tpu.sem_alloc : memref<!tpu.dma_semaphore, #tpu.memory_space<semaphore_mem>>
        %dma_start3A_82 = arith.constant 0 : i32
        %dma_start3A_83 = arith.constant 0 : i32
        %dma_start3A_84 = tpu.memref_slice %arg12[%dma_start3A_82, %dma_start3A_83] : memref<10128x128xf32, #tpu.memory_space<vmem_shared>> -> memref<10128x128xf32, #tpu.memory_space<vmem_shared>>
        tpu.enqueue_indirect_dma source(%arg11 : memref<128x128xf32, #tpu.memory_space<vmem>>) target(%dma_start3A_84 : memref<10128x128xf32, #tpu.memory_space<vmem_shared>>) offsets(%arg9 : memref<128xi32, #tpu.memory_space<vmem>>) semaphore(%run_scoped3A : memref<!tpu.dma_semaphore, #tpu.memory_space<semaphore_mem>>) {add = true}
        %dma_wait3A_85 = arith.constant 0 : i32
        %dma_wait3A_86 = arith.constant 0 : i32
        %dma_wait3A_87 = tpu.memref_slice %arg12[%dma_wait3A_85, %dma_wait3A_86] : memref<10128x128xf32, #tpu.memory_space<vmem_shared>> -> memref<10128x128xf32, #tpu.memory_space<vmem_shared>>
        tpu.wait_indirect_dma semaphore(%run_scoped3A : memref<!tpu.dma_semaphore, #tpu.memory_space<semaphore_mem>>) src(%arg11 : memref<128x128xf32, #tpu.memory_space<vmem>>) dst(%dma_wait3A_87 : memref<10128x128xf32, #tpu.memory_space<vmem_shared>>)
        tpu.yield
      }) : () -> ()
      %lt3A_77 = arith.constant 39 : i32
      %lt3A_78 = arith.cmpi slt, %scan3A_48, %lt3A_77 : i32
      %convert_element_type3A_79 = arith.extui %lt3A_78 : i1 to i32
      %cond3A_80 = arith.constant 0 : i32
      %cond3A_81 = arith.cmpi ne, %convert_element_type3A_79, %cond3A_80 : i32
      scf.if %cond3A_81 {
        %add3A_82 = arith.constant 3 : i32
        %add3A_83 = arith.addi %mul3A_50, %add3A_82 : i32
        %mul3A_84 = arith.constant 128 : i32
        %mul3A_85 = arith.muli %add3A_83, %mul3A_84 : i32
        %add3A_86 = arith.addi %mul3A_4, %mul3A_85 : i32
        %dma_start3A_87 = tpu.memref_slice %arg3[%add3A_86] : memref<327680xi32, #tpu.memory_space<hbm>> -> memref<128xi32, #tpu.memory_space<hbm>>
        %dma_start3A_88 = tpu.memref_slice %arg3[%add3A_86] : memref<327680xi32, #tpu.memory_space<hbm>> -> memref<128xi32, #tpu.memory_space<hbm>>
        tpu.enqueue_dma source(%dma_start3A_88 : memref<128xi32, #tpu.memory_space<hbm>>) target(%arg9 : memref<128xi32, #tpu.memory_space<vmem>>) target_semaphore(%arg16 : memref<!tpu.dma_semaphore, #tpu.memory_space<semaphore_mem>>)
        %dma_start3A_89 = arith.constant 0 : i32
        %dma_start3A_90 = tpu.memref_slice %arg7[%add3A_83, %dma_start3A_89] : memref<80x128xi32, #tpu.memory_space<vmem>> -> memref<1x128xi32, #tpu.memory_space<vmem>>
        %dma_start3A_91 = tpu.memref_squeeze %dma_start3A_90 : memref<1x128xi32, #tpu.memory_space<vmem>> -> memref<128xi32, #tpu.memory_space<vmem>>
        %dma_start3A_92 = arith.constant 0 : i32
        %dma_start3A_93 = arith.constant 0 : i32
        %dma_start3A_94 = tpu.memref_slice %arg4[%dma_start3A_92, %dma_start3A_93] : memref<10000x128xf32, #tpu.memory_space<hbm>> -> memref<10000x128xf32, #tpu.memory_space<hbm>>
        tpu.enqueue_indirect_dma source(%dma_start3A_94 : memref<10000x128xf32, #tpu.memory_space<hbm>>) target(%arg11 : memref<128x128xf32, #tpu.memory_space<vmem>>) offsets(%dma_start3A_91 : memref<128xi32, #tpu.memory_space<vmem>>) semaphore(%arg14 : memref<!tpu.dma_semaphore, #tpu.memory_space<semaphore_mem>>)
      } else {
      }
    }
    %scan3A_36 = arith.constant 40 : i32
    %barrier3A_37 = arith.constant 0 : index
    tpu.barrier barrier_id(%barrier3A_37)
    %lt3A_38 = arith.constant 15 : i32
    %lt3A_39 = arith.cmpi slt, %arg1, %lt3A_38 : i32
    %convert_element_type3A_40 = arith.extui %lt3A_39 : i1 to i32
    %cond3A_41 = arith.constant 0 : i32
    %cond3A_42 = arith.cmpi ne, %convert_element_type3A_40, %cond3A_41 : i32
    scf.if %cond3A_42 {
      "tpu.region"() ({
        %run_scoped3A = tpu.sem_alloc : memref<!tpu.dma_semaphore, #tpu.memory_space<semaphore_mem>>
        %dma_start3A_48 = arith.constant 0 : i32
        %dma_start3A_49 = tpu.memref_slice %arg6[%arg0, %mul3A_2, %dma_start3A_48] : memref<2x10000x128xf32, #tpu.memory_space<hbm>> -> memref<1x640x128xf32, #tpu.memory_space<hbm>>
        %dma_start3A_50 = tpu.memref_squeeze %dma_start3A_49 : memref<1x640x128xf32, #tpu.memory_space<hbm>> -> memref<640x128xf32, #tpu.memory_space<hbm>>
        %dma_start3A_51 = arith.constant 0 : i32
        %dma_start3A_52 = tpu.memref_slice %arg12[%mul3A_2, %dma_start3A_51] : memref<10128x128xf32, #tpu.memory_space<vmem_shared>> -> memref<640x128xf32, #tpu.memory_space<vmem_shared>>
        tpu.enqueue_dma source(%dma_start3A_52 : memref<640x128xf32, #tpu.memory_space<vmem_shared>>) target(%dma_start3A_50 : memref<640x128xf32, #tpu.memory_space<hbm>>) target_semaphore(%run_scoped3A : memref<!tpu.dma_semaphore, #tpu.memory_space<semaphore_mem>>)
        %dma_wait3A = arith.constant 0 : i32
        %dma_wait3A_53 = tpu.memref_slice %arg6[%arg0, %mul3A_2, %dma_wait3A] : memref<2x10000x128xf32, #tpu.memory_space<hbm>> -> memref<1x640x128xf32, #tpu.memory_space<hbm>>
        %dma_wait3A_54 = tpu.memref_squeeze %dma_wait3A_53 : memref<1x640x128xf32, #tpu.memory_space<hbm>> -> memref<640x128xf32, #tpu.memory_space<hbm>>
        %dma_wait3A_55 = arith.constant 0 : i32
        %dma_wait3A_56 = tpu.memref_slice %arg12[%mul3A_2, %dma_wait3A_55] : memref<10128x128xf32, #tpu.memory_space<vmem_shared>> -> memref<640x128xf32, #tpu.memory_space<vmem_shared>>
        tpu.wait_dma2 semaphore(%run_scoped3A : memref<!tpu.dma_semaphore, #tpu.memory_space<semaphore_mem>>) src(%dma_wait3A_56 : memref<640x128xf32, #tpu.memory_space<vmem_shared>>) dst(%dma_wait3A_54 : memref<640x128xf32, #tpu.memory_space<hbm>>)
        tpu.yield
      }) : () -> ()
    } else {
    }
    %eq3A_43 = arith.constant 15 : i32
    %eq3A_44 = arith.cmpi eq, %arg1, %eq3A_43 : i32
    %convert_element_type3A_45 = arith.extui %eq3A_44 : i1 to i32
    %cond3A_46 = arith.constant 0 : i32
    %cond3A_47 = arith.cmpi ne, %convert_element_type3A_45, %cond3A_46 : i32
    scf.if %cond3A_47 {
      "tpu.region"() ({
        %run_scoped3A = tpu.sem_alloc : memref<!tpu.dma_semaphore, #tpu.memory_space<semaphore_mem>>
        %dma_start3A_48 = arith.constant 0 : i32
        %dma_start3A_49 = tpu.memref_slice %arg6[%arg0, %mul3A_2, %dma_start3A_48] : memref<2x10000x128xf32, #tpu.memory_space<hbm>> -> memref<1x400x128xf32, #tpu.memory_space<hbm>>
        %dma_start3A_50 = tpu.memref_squeeze %dma_start3A_49 : memref<1x400x128xf32, #tpu.memory_space<hbm>> -> memref<400x128xf32, #tpu.memory_space<hbm>>
        %dma_start3A_51 = arith.constant 0 : i32
        %dma_start3A_52 = tpu.memref_slice %arg12[%mul3A_2, %dma_start3A_51] : memref<10128x128xf32, #tpu.memory_space<vmem_shared>> -> memref<400x128xf32, #tpu.memory_space<vmem_shared>>
        tpu.enqueue_dma source(%dma_start3A_52 : memref<400x128xf32, #tpu.memory_space<vmem_shared>>) target(%dma_start3A_50 : memref<400x128xf32, #tpu.memory_space<hbm>>) target_semaphore(%run_scoped3A : memref<!tpu.dma_semaphore, #tpu.memory_space<semaphore_mem>>)
        %dma_wait3A = arith.constant 0 : i32
        %dma_wait3A_53 = tpu.memref_slice %arg6[%arg0, %mul3A_2, %dma_wait3A] : memref<2x10000x128xf32, #tpu.memory_space<hbm>> -> memref<1x400x128xf32, #tpu.memory_space<hbm>>
        %dma_wait3A_54 = tpu.memref_squeeze %dma_wait3A_53 : memref<1x400x128xf32, #tpu.memory_space<hbm>> -> memref<400x128xf32, #tpu.memory_space<hbm>>
        %dma_wait3A_55 = arith.constant 0 : i32
        %dma_wait3A_56 = tpu.memref_slice %arg12[%mul3A_2, %dma_wait3A_55] : memref<10128x128xf32, #tpu.memory_space<vmem_shared>> -> memref<400x128xf32, #tpu.memory_space<vmem_shared>>
        tpu.wait_dma2 semaphore(%run_scoped3A : memref<!tpu.dma_semaphore, #tpu.memory_space<semaphore_mem>>) src(%dma_wait3A_56 : memref<400x128xf32, #tpu.memory_space<vmem_shared>>) dst(%dma_wait3A_54 : memref<400x128xf32, #tpu.memory_space<hbm>>)
        tpu.yield
      }) : () -> ()
    } else {
    }
    return
  }
}

#map = affine_map<(d0, d1) -> (0, 0, 0)>
#map1 = affine_map<(d0, d1) -> (0)>
#map2 = affine_map<(d0, d1) -> (0, 0)>
module attributes {stable_mosaic.version = 14 : i64} {
  func.func @_agg_kernel(%arg0: i32, %arg1: i32, %arg2: memref<32x80x128xi32, #tpu.memory_space<hbm>>, %arg3: memref<327680xi32, #tpu.memory_space<hbm>>, %arg4: memref<10000x128xf32, #tpu.memory_space<hbm>>, %arg5: memref<640x128xf32, #tpu.memory_space<hbm>>, %arg6: memref<2x10000x128xf32, #tpu.memory_space<hbm>>, %arg7: memref<80x128xi32, #tpu.memory_space<vmem>>, %arg8: memref<128xi32, #tpu.memory_space<vmem>>, %arg9: memref<128xi32, #tpu.memory_space<vmem>>, %arg10: memref<128x128xf32, #tpu.memory_space<vmem>>, %arg11: memref<128x128xf32, #tpu.memory_space<vmem>>, %arg12: memref<10128x128xf32, #tpu.memory_space<vmem_shared>>, %arg13: memref<!tpu.dma_semaphore, #tpu.memory_space<semaphore_mem>>, %arg14: memref<!tpu.dma_semaphore, #tpu.memory_space<semaphore_mem>>, %arg15: memref<!tpu.dma_semaphore, #tpu.memory_space<semaphore_mem>>, %arg16: memref<!tpu.dma_semaphore, #tpu.memory_space<semaphore_mem>>) attributes {dimension_semantics = [#tpu.dimension_semantics<core_parallel>, #tpu.dimension_semantics<subcore_parallel>], iteration_bounds = array<i64: 2, 16>, scalar_prefetch = 0 : i64, scratch_operands = 10 : i64, tpu.core_type = #tpu.core_type<sc_vector_subcore>, window_params = [{transform_indices = #map}, {transform_indices = #map1}, {transform_indices = #map2}, {transform_indices = #map2}, {transform_indices = #map}]} {
    %mul3A = arith.constant 16 : i32
    %mul3A_0 = arith.muli %arg0, %mul3A : i32
    %add3A = arith.addi %mul3A_0, %arg1 : i32
    %mul3A_1 = arith.constant 640 : i32
    %mul3A_2 = arith.muli %arg1, %mul3A_1 : i32
    %mul3A_3 = arith.constant 10240 : i32
    %mul3A_4 = arith.muli %add3A, %mul3A_3 : i32
    "tpu.region"() ({
      %run_scoped3A = tpu.sem_alloc : memref<!tpu.dma_semaphore, #tpu.memory_space<semaphore_mem>>
      %dma_start3A_48 = arith.constant 0 : i32
      %dma_start3A_49 = arith.constant 0 : i32
      %dma_start3A_50 = tpu.memref_slice %arg2[%add3A, %dma_start3A_48, %dma_start3A_49] : memref<32x80x128xi32, #tpu.memory_space<hbm>> -> memref<1x80x128xi32, #tpu.memory_space<hbm>>
      %dma_start3A_51 = tpu.memref_squeeze %dma_start3A_50 : memref<1x80x128xi32, #tpu.memory_space<hbm>> -> memref<80x128xi32, #tpu.memory_space<hbm>>
      %dma_start3A_52 = arith.constant 0 : i32
      %dma_start3A_53 = arith.constant 0 : i32
      %dma_start3A_54 = tpu.memref_slice %arg2[%add3A, %dma_start3A_52, %dma_start3A_53] : memref<32x80x128xi32, #tpu.memory_space<hbm>> -> memref<1x80x128xi32, #tpu.memory_space<hbm>>
      %dma_start3A_55 = tpu.memref_squeeze %dma_start3A_54 : memref<1x80x128xi32, #tpu.memory_space<hbm>> -> memref<80x128xi32, #tpu.memory_space<hbm>>
      tpu.enqueue_dma source(%dma_start3A_55 : memref<80x128xi32, #tpu.memory_space<hbm>>) target(%arg7 : memref<80x128xi32, #tpu.memory_space<vmem>>) target_semaphore(%run_scoped3A : memref<!tpu.dma_semaphore, #tpu.memory_space<semaphore_mem>>)
      %dma_wait3A = arith.constant 0 : i32
      %dma_wait3A_56 = arith.constant 0 : i32
      %dma_wait3A_57 = tpu.memref_slice %arg2[%add3A, %dma_wait3A, %dma_wait3A_56] : memref<32x80x128xi32, #tpu.memory_space<hbm>> -> memref<1x80x128xi32, #tpu.memory_space<hbm>>
      %dma_wait3A_58 = tpu.memref_squeeze %dma_wait3A_57 : memref<1x80x128xi32, #tpu.memory_space<hbm>> -> memref<80x128xi32, #tpu.memory_space<hbm>>
      %dma_wait3A_59 = arith.constant 0 : i32
      %dma_wait3A_60 = arith.constant 0 : i32
      %dma_wait3A_61 = tpu.memref_slice %arg2[%add3A, %dma_wait3A_59, %dma_wait3A_60] : memref<32x80x128xi32, #tpu.memory_space<hbm>> -> memref<1x80x128xi32, #tpu.memory_space<hbm>>
      %dma_wait3A_62 = tpu.memref_squeeze %dma_wait3A_61 : memref<1x80x128xi32, #tpu.memory_space<hbm>> -> memref<80x128xi32, #tpu.memory_space<hbm>>
      tpu.wait_dma2 semaphore(%run_scoped3A : memref<!tpu.dma_semaphore, #tpu.memory_space<semaphore_mem>>) src(%dma_wait3A_62 : memref<80x128xi32, #tpu.memory_space<hbm>>) dst(%arg7 : memref<80x128xi32, #tpu.memory_space<vmem>>)
      tpu.yield
    }) : () -> ()
    %add3A_5 = arith.constant 0 : i32
    %add3A_6 = arith.addi %mul3A_4, %add3A_5 : i32
    %dma_start3A = tpu.memref_slice %arg3[%add3A_6] : memref<327680xi32, #tpu.memory_space<hbm>> -> memref<128xi32, #tpu.memory_space<hbm>>
    %dma_start3A_7 = tpu.memref_slice %arg3[%add3A_6] : memref<327680xi32, #tpu.memory_space<hbm>> -> memref<128xi32, #tpu.memory_space<hbm>>
    tpu.enqueue_dma source(%dma_start3A_7 : memref<128xi32, #tpu.memory_space<hbm>>) target(%arg8 : memref<128xi32, #tpu.memory_space<vmem>>) target_semaphore(%arg15 : memref<!tpu.dma_semaphore, #tpu.memory_space<semaphore_mem>>)
    %dma_start3A_8 = arith.constant 0 : i32
    %dma_start3A_9 = arith.constant 0 : i32
    %dma_start3A_10 = tpu.memref_slice %arg7[%dma_start3A_8, %dma_start3A_9] : memref<80x128xi32, #tpu.memory_space<vmem>> -> memref<1x128xi32, #tpu.memory_space<vmem>>
    %dma_start3A_11 = tpu.memref_squeeze %dma_start3A_10 : memref<1x128xi32, #tpu.memory_space<vmem>> -> memref<128xi32, #tpu.memory_space<vmem>>
    %dma_start3A_12 = arith.constant 0 : i32
    %dma_start3A_13 = arith.constant 0 : i32
    %dma_start3A_14 = tpu.memref_slice %arg4[%dma_start3A_12, %dma_start3A_13] : memref<10000x128xf32, #tpu.memory_space<hbm>> -> memref<10000x128xf32, #tpu.memory_space<hbm>>
    tpu.enqueue_indirect_dma source(%dma_start3A_14 : memref<10000x128xf32, #tpu.memory_space<hbm>>) target(%arg10 : memref<128x128xf32, #tpu.memory_space<vmem>>) offsets(%dma_start3A_11 : memref<128xi32, #tpu.memory_space<vmem>>) semaphore(%arg13 : memref<!tpu.dma_semaphore, #tpu.memory_space<semaphore_mem>>)
    %add3A_15 = arith.constant 128 : i32
    %add3A_16 = arith.addi %mul3A_4, %add3A_15 : i32
    %dma_start3A_17 = tpu.memref_slice %arg3[%add3A_16] : memref<327680xi32, #tpu.memory_space<hbm>> -> memref<128xi32, #tpu.memory_space<hbm>>
    %dma_start3A_18 = tpu.memref_slice %arg3[%add3A_16] : memref<327680xi32, #tpu.memory_space<hbm>> -> memref<128xi32, #tpu.memory_space<hbm>>
    tpu.enqueue_dma source(%dma_start3A_18 : memref<128xi32, #tpu.memory_space<hbm>>) target(%arg9 : memref<128xi32, #tpu.memory_space<vmem>>) target_semaphore(%arg16 : memref<!tpu.dma_semaphore, #tpu.memory_space<semaphore_mem>>)
    %dma_start3A_19 = arith.constant 1 : i32
    %dma_start3A_20 = arith.constant 0 : i32
    %dma_start3A_21 = tpu.memref_slice %arg7[%dma_start3A_19, %dma_start3A_20] : memref<80x128xi32, #tpu.memory_space<vmem>> -> memref<1x128xi32, #tpu.memory_space<vmem>>
    %dma_start3A_22 = tpu.memref_squeeze %dma_start3A_21 : memref<1x128xi32, #tpu.memory_space<vmem>> -> memref<128xi32, #tpu.memory_space<vmem>>
    %dma_start3A_23 = arith.constant 0 : i32
    %dma_start3A_24 = arith.constant 0 : i32
    %dma_start3A_25 = tpu.memref_slice %arg4[%dma_start3A_23, %dma_start3A_24] : memref<10000x128xf32, #tpu.memory_space<hbm>> -> memref<10000x128xf32, #tpu.memory_space<hbm>>
    tpu.enqueue_indirect_dma source(%dma_start3A_25 : memref<10000x128xf32, #tpu.memory_space<hbm>>) target(%arg11 : memref<128x128xf32, #tpu.memory_space<vmem>>) offsets(%dma_start3A_22 : memref<128xi32, #tpu.memory_space<vmem>>) semaphore(%arg14 : memref<!tpu.dma_semaphore, #tpu.memory_space<semaphore_mem>>)
    %lt3A = arith.constant 15 : i32
    %lt3A_26 = arith.cmpi slt, %arg1, %lt3A : i32
    %convert_element_type3A = arith.extui %lt3A_26 : i1 to i32
    %cond3A = arith.constant 0 : i32
    %cond3A_27 = arith.cmpi ne, %convert_element_type3A, %cond3A : i32
    scf.if %cond3A_27 {
      %eq3A_48 = arith.constant 0 : i32
      %eq3A_49 = arith.cmpi eq, %arg0, %eq3A_48 : i32
      %convert_element_type3A_50 = arith.extui %eq3A_49 : i1 to i32
      %cond3A_51 = arith.constant 0 : i32
      %cond3A_52 = arith.cmpi ne, %convert_element_type3A_50, %cond3A_51 : i32
      scf.if %cond3A_52 {
        "tpu.region"() ({
          %run_scoped3A = tpu.sem_alloc : memref<!tpu.dma_semaphore, #tpu.memory_space<semaphore_mem>>
          %dma_start3A_57 = arith.constant 0 : i32
          %dma_start3A_58 = tpu.memref_slice %arg12[%mul3A_2, %dma_start3A_57] : memref<10128x128xf32, #tpu.memory_space<vmem_shared>> -> memref<640x128xf32, #tpu.memory_space<vmem_shared>>
          %dma_start3A_59 = arith.constant 0 : i32
          %dma_start3A_60 = tpu.memref_slice %arg4[%mul3A_2, %dma_start3A_59] : memref<10000x128xf32, #tpu.memory_space<hbm>> -> memref<640x128xf32, #tpu.memory_space<hbm>>
          tpu.enqueue_dma source(%dma_start3A_60 : memref<640x128xf32, #tpu.memory_space<hbm>>) target(%dma_start3A_58 : memref<640x128xf32, #tpu.memory_space<vmem_shared>>) target_semaphore(%run_scoped3A : memref<!tpu.dma_semaphore, #tpu.memory_space<semaphore_mem>>)
          %dma_wait3A = arith.constant 0 : i32
          %dma_wait3A_61 = tpu.memref_slice %arg12[%mul3A_2, %dma_wait3A] : memref<10128x128xf32, #tpu.memory_space<vmem_shared>> -> memref<640x128xf32, #tpu.memory_space<vmem_shared>>
          %dma_wait3A_62 = arith.constant 0 : i32
          %dma_wait3A_63 = tpu.memref_slice %arg4[%mul3A_2, %dma_wait3A_62] : memref<10000x128xf32, #tpu.memory_space<hbm>> -> memref<640x128xf32, #tpu.memory_space<hbm>>
          tpu.wait_dma2 semaphore(%run_scoped3A : memref<!tpu.dma_semaphore, #tpu.memory_space<semaphore_mem>>) src(%dma_wait3A_63 : memref<640x128xf32, #tpu.memory_space<hbm>>) dst(%dma_wait3A_61 : memref<640x128xf32, #tpu.memory_space<vmem_shared>>)
          tpu.yield
        }) : () -> ()
      } else {
      }
      %ne3A = arith.constant 0 : i32
      %ne3A_53 = arith.cmpi ne, %arg0, %ne3A : i32
      %convert_element_type3A_54 = arith.extui %ne3A_53 : i1 to i32
      %cond3A_55 = arith.constant 0 : i32
      %cond3A_56 = arith.cmpi ne, %convert_element_type3A_54, %cond3A_55 : i32
      scf.if %cond3A_56 {
        "tpu.region"() ({
          %run_scoped3A = tpu.sem_alloc : memref<!tpu.dma_semaphore, #tpu.memory_space<semaphore_mem>>
          %dma_start3A_57 = arith.constant 0 : i32
          %dma_start3A_58 = tpu.memref_slice %arg12[%mul3A_2, %dma_start3A_57] : memref<10128x128xf32, #tpu.memory_space<vmem_shared>> -> memref<640x128xf32, #tpu.memory_space<vmem_shared>>
          %dma_start3A_59 = arith.constant 0 : i32
          %dma_start3A_60 = arith.constant 0 : i32
          %dma_start3A_61 = tpu.memref_slice %arg5[%dma_start3A_59, %dma_start3A_60] : memref<640x128xf32, #tpu.memory_space<hbm>> -> memref<640x128xf32, #tpu.memory_space<hbm>>
          tpu.enqueue_dma source(%dma_start3A_61 : memref<640x128xf32, #tpu.memory_space<hbm>>) target(%dma_start3A_58 : memref<640x128xf32, #tpu.memory_space<vmem_shared>>) target_semaphore(%run_scoped3A : memref<!tpu.dma_semaphore, #tpu.memory_space<semaphore_mem>>)
          %dma_wait3A = arith.constant 0 : i32
          %dma_wait3A_62 = tpu.memref_slice %arg12[%mul3A_2, %dma_wait3A] : memref<10128x128xf32, #tpu.memory_space<vmem_shared>> -> memref<640x128xf32, #tpu.memory_space<vmem_shared>>
          %dma_wait3A_63 = arith.constant 0 : i32
          %dma_wait3A_64 = arith.constant 0 : i32
          %dma_wait3A_65 = tpu.memref_slice %arg5[%dma_wait3A_63, %dma_wait3A_64] : memref<640x128xf32, #tpu.memory_space<hbm>> -> memref<640x128xf32, #tpu.memory_space<hbm>>
          tpu.wait_dma2 semaphore(%run_scoped3A : memref<!tpu.dma_semaphore, #tpu.memory_space<semaphore_mem>>) src(%dma_wait3A_65 : memref<640x128xf32, #tpu.memory_space<hbm>>) dst(%dma_wait3A_62 : memref<640x128xf32, #tpu.memory_space<vmem_shared>>)
          tpu.yield
        }) : () -> ()
      } else {
      }
    } else {
    }
    %eq3A = arith.constant 15 : i32
    %eq3A_28 = arith.cmpi eq, %arg1, %eq3A : i32
    %convert_element_type3A_29 = arith.extui %eq3A_28 : i1 to i32
    %cond3A_30 = arith.constant 0 : i32
    %cond3A_31 = arith.cmpi ne, %convert_element_type3A_29, %cond3A_30 : i32
    scf.if %cond3A_31 {
      %eq3A_48 = arith.constant 0 : i32
      %eq3A_49 = arith.cmpi eq, %arg0, %eq3A_48 : i32
      %convert_element_type3A_50 = arith.extui %eq3A_49 : i1 to i32
      %cond3A_51 = arith.constant 0 : i32
      %cond3A_52 = arith.cmpi ne, %convert_element_type3A_50, %cond3A_51 : i32
      scf.if %cond3A_52 {
        "tpu.region"() ({
          %run_scoped3A = tpu.sem_alloc : memref<!tpu.dma_semaphore, #tpu.memory_space<semaphore_mem>>
          %dma_start3A_57 = arith.constant 0 : i32
          %dma_start3A_58 = tpu.memref_slice %arg12[%mul3A_2, %dma_start3A_57] : memref<10128x128xf32, #tpu.memory_space<vmem_shared>> -> memref<400x128xf32, #tpu.memory_space<vmem_shared>>
          %dma_start3A_59 = arith.constant 0 : i32
          %dma_start3A_60 = tpu.memref_slice %arg4[%mul3A_2, %dma_start3A_59] : memref<10000x128xf32, #tpu.memory_space<hbm>> -> memref<400x128xf32, #tpu.memory_space<hbm>>
          tpu.enqueue_dma source(%dma_start3A_60 : memref<400x128xf32, #tpu.memory_space<hbm>>) target(%dma_start3A_58 : memref<400x128xf32, #tpu.memory_space<vmem_shared>>) target_semaphore(%run_scoped3A : memref<!tpu.dma_semaphore, #tpu.memory_space<semaphore_mem>>)
          %dma_wait3A = arith.constant 0 : i32
          %dma_wait3A_61 = tpu.memref_slice %arg12[%mul3A_2, %dma_wait3A] : memref<10128x128xf32, #tpu.memory_space<vmem_shared>> -> memref<400x128xf32, #tpu.memory_space<vmem_shared>>
          %dma_wait3A_62 = arith.constant 0 : i32
          %dma_wait3A_63 = tpu.memref_slice %arg4[%mul3A_2, %dma_wait3A_62] : memref<10000x128xf32, #tpu.memory_space<hbm>> -> memref<400x128xf32, #tpu.memory_space<hbm>>
          tpu.wait_dma2 semaphore(%run_scoped3A : memref<!tpu.dma_semaphore, #tpu.memory_space<semaphore_mem>>) src(%dma_wait3A_63 : memref<400x128xf32, #tpu.memory_space<hbm>>) dst(%dma_wait3A_61 : memref<400x128xf32, #tpu.memory_space<vmem_shared>>)
          tpu.yield
        }) : () -> ()
      } else {
      }
      %ne3A = arith.constant 0 : i32
      %ne3A_53 = arith.cmpi ne, %arg0, %ne3A : i32
      %convert_element_type3A_54 = arith.extui %ne3A_53 : i1 to i32
      %cond3A_55 = arith.constant 0 : i32
      %cond3A_56 = arith.cmpi ne, %convert_element_type3A_54, %cond3A_55 : i32
      scf.if %cond3A_56 {
        "tpu.region"() ({
          %run_scoped3A = tpu.sem_alloc : memref<!tpu.dma_semaphore, #tpu.memory_space<semaphore_mem>>
          %dma_start3A_57 = arith.constant 0 : i32
          %dma_start3A_58 = tpu.memref_slice %arg12[%mul3A_2, %dma_start3A_57] : memref<10128x128xf32, #tpu.memory_space<vmem_shared>> -> memref<400x128xf32, #tpu.memory_space<vmem_shared>>
          %dma_start3A_59 = arith.constant 0 : i32
          %dma_start3A_60 = arith.constant 0 : i32
          %dma_start3A_61 = tpu.memref_slice %arg5[%dma_start3A_59, %dma_start3A_60] : memref<640x128xf32, #tpu.memory_space<hbm>> -> memref<400x128xf32, #tpu.memory_space<hbm>>
          tpu.enqueue_dma source(%dma_start3A_61 : memref<400x128xf32, #tpu.memory_space<hbm>>) target(%dma_start3A_58 : memref<400x128xf32, #tpu.memory_space<vmem_shared>>) target_semaphore(%run_scoped3A : memref<!tpu.dma_semaphore, #tpu.memory_space<semaphore_mem>>)
          %dma_wait3A = arith.constant 0 : i32
          %dma_wait3A_62 = tpu.memref_slice %arg12[%mul3A_2, %dma_wait3A] : memref<10128x128xf32, #tpu.memory_space<vmem_shared>> -> memref<400x128xf32, #tpu.memory_space<vmem_shared>>
          %dma_wait3A_63 = arith.constant 0 : i32
          %dma_wait3A_64 = arith.constant 0 : i32
          %dma_wait3A_65 = tpu.memref_slice %arg5[%dma_wait3A_63, %dma_wait3A_64] : memref<640x128xf32, #tpu.memory_space<hbm>> -> memref<400x128xf32, #tpu.memory_space<hbm>>
          tpu.wait_dma2 semaphore(%run_scoped3A : memref<!tpu.dma_semaphore, #tpu.memory_space<semaphore_mem>>) src(%dma_wait3A_65 : memref<400x128xf32, #tpu.memory_space<hbm>>) dst(%dma_wait3A_62 : memref<400x128xf32, #tpu.memory_space<vmem_shared>>)
          tpu.yield
        }) : () -> ()
      } else {
      }
    } else {
    }
    %barrier3A = arith.constant 0 : index
    tpu.barrier barrier_id(%barrier3A)
    %scan3A = arith.constant 0 : i32
    %scan3A_32 = arith.constant 0 : i32
    %scan3A_33 = arith.constant 40 : i32
    %scan3A_34 = arith.addi %scan3A_32, %scan3A_33 : i32
    %scan3A_35 = arith.constant 1 : i32
    scf.for %scan3A_48 = %scan3A_32 to %scan3A_34 step %scan3A_35  : i32 {
      %mul3A_49 = arith.constant 2 : i32
      %mul3A_50 = arith.muli %mul3A_49, %scan3A_48 : i32
      %dma_wait3A = arith.constant 0 : i32
      %dma_wait3A_51 = tpu.memref_slice %arg3[%dma_wait3A] : memref<327680xi32, #tpu.memory_space<hbm>> -> memref<128xi32, #tpu.memory_space<hbm>>
      %dma_wait3A_52 = arith.constant 0 : i32
      %dma_wait3A_53 = tpu.memref_slice %arg3[%dma_wait3A_52] : memref<327680xi32, #tpu.memory_space<hbm>> -> memref<128xi32, #tpu.memory_space<hbm>>
      tpu.wait_dma2 semaphore(%arg15 : memref<!tpu.dma_semaphore, #tpu.memory_space<semaphore_mem>>) src(%dma_wait3A_53 : memref<128xi32, #tpu.memory_space<hbm>>) dst(%arg8 : memref<128xi32, #tpu.memory_space<vmem>>)
      %dma_wait3A_54 = arith.constant 0 : i32
      %dma_wait3A_55 = arith.constant 0 : i32
      %dma_wait3A_56 = tpu.memref_slice %arg7[%dma_wait3A_54, %dma_wait3A_55] : memref<80x128xi32, #tpu.memory_space<vmem>> -> memref<1x128xi32, #tpu.memory_space<vmem>>
      %dma_wait3A_57 = tpu.memref_squeeze %dma_wait3A_56 : memref<1x128xi32, #tpu.memory_space<vmem>> -> memref<128xi32, #tpu.memory_space<vmem>>
      %dma_wait3A_58 = arith.constant 0 : i32
      %dma_wait3A_59 = arith.constant 0 : i32
      %dma_wait3A_60 = tpu.memref_slice %arg4[%dma_wait3A_58, %dma_wait3A_59] : memref<10000x128xf32, #tpu.memory_space<hbm>> -> memref<10000x128xf32, #tpu.memory_space<hbm>>
      tpu.wait_indirect_dma semaphore(%arg13 : memref<!tpu.dma_semaphore, #tpu.memory_space<semaphore_mem>>) src(%dma_wait3A_60 : memref<10000x128xf32, #tpu.memory_space<hbm>>) dst(%arg10 : memref<128x128xf32, #tpu.memory_space<vmem>>)
      "tpu.region"() ({
        %run_scoped3A = tpu.sem_alloc : memref<!tpu.dma_semaphore, #tpu.memory_space<semaphore_mem>>
        %dma_start3A_82 = arith.constant 0 : i32
        %dma_start3A_83 = arith.constant 0 : i32
        %dma_start3A_84 = tpu.memref_slice %arg12[%dma_start3A_82, %dma_start3A_83] : memref<10128x128xf32, #tpu.memory_space<vmem_shared>> -> memref<10128x128xf32, #tpu.memory_space<vmem_shared>>
        tpu.enqueue_indirect_dma source(%arg10 : memref<128x128xf32, #tpu.memory_space<vmem>>) target(%dma_start3A_84 : memref<10128x128xf32, #tpu.memory_space<vmem_shared>>) offsets(%arg8 : memref<128xi32, #tpu.memory_space<vmem>>) semaphore(%run_scoped3A : memref<!tpu.dma_semaphore, #tpu.memory_space<semaphore_mem>>) {add = true}
        %dma_wait3A_85 = arith.constant 0 : i32
        %dma_wait3A_86 = arith.constant 0 : i32
        %dma_wait3A_87 = tpu.memref_slice %arg12[%dma_wait3A_85, %dma_wait3A_86] : memref<10128x128xf32, #tpu.memory_space<vmem_shared>> -> memref<10128x128xf32, #tpu.memory_space<vmem_shared>>
        tpu.wait_indirect_dma semaphore(%run_scoped3A : memref<!tpu.dma_semaphore, #tpu.memory_space<semaphore_mem>>) src(%arg10 : memref<128x128xf32, #tpu.memory_space<vmem>>) dst(%dma_wait3A_87 : memref<10128x128xf32, #tpu.memory_space<vmem_shared>>)
        tpu.yield
      }) : () -> ()
      %lt3A_61 = arith.constant 39 : i32
      %lt3A_62 = arith.cmpi slt, %scan3A_48, %lt3A_61 : i32
      %convert_element_type3A_63 = arith.extui %lt3A_62 : i1 to i32
      %cond3A_64 = arith.constant 0 : i32
      %cond3A_65 = arith.cmpi ne, %convert_element_type3A_63, %cond3A_64 : i32
      scf.if %cond3A_65 {
        %add3A_82 = arith.constant 2 : i32
        %add3A_83 = arith.addi %mul3A_50, %add3A_82 : i32
        %mul3A_84 = arith.constant 128 : i32
        %mul3A_85 = arith.muli %add3A_83, %mul3A_84 : i32
        %add3A_86 = arith.addi %mul3A_4, %mul3A_85 : i32
        %dma_start3A_87 = tpu.memref_slice %arg3[%add3A_86] : memref<327680xi32, #tpu.memory_space<hbm>> -> memref<128xi32, #tpu.memory_space<hbm>>
        %dma_start3A_88 = tpu.memref_slice %arg3[%add3A_86] : memref<327680xi32, #tpu.memory_space<hbm>> -> memref<128xi32, #tpu.memory_space<hbm>>
        tpu.enqueue_dma source(%dma_start3A_88 : memref<128xi32, #tpu.memory_space<hbm>>) target(%arg8 : memref<128xi32, #tpu.memory_space<vmem>>) target_semaphore(%arg15 : memref<!tpu.dma_semaphore, #tpu.memory_space<semaphore_mem>>)
        %dma_start3A_89 = arith.constant 0 : i32
        %dma_start3A_90 = tpu.memref_slice %arg7[%add3A_83, %dma_start3A_89] : memref<80x128xi32, #tpu.memory_space<vmem>> -> memref<1x128xi32, #tpu.memory_space<vmem>>
        %dma_start3A_91 = tpu.memref_squeeze %dma_start3A_90 : memref<1x128xi32, #tpu.memory_space<vmem>> -> memref<128xi32, #tpu.memory_space<vmem>>
        %dma_start3A_92 = arith.constant 0 : i32
        %dma_start3A_93 = arith.constant 0 : i32
        %dma_start3A_94 = tpu.memref_slice %arg4[%dma_start3A_92, %dma_start3A_93] : memref<10000x128xf32, #tpu.memory_space<hbm>> -> memref<10000x128xf32, #tpu.memory_space<hbm>>
        tpu.enqueue_indirect_dma source(%dma_start3A_94 : memref<10000x128xf32, #tpu.memory_space<hbm>>) target(%arg10 : memref<128x128xf32, #tpu.memory_space<vmem>>) offsets(%dma_start3A_91 : memref<128xi32, #tpu.memory_space<vmem>>) semaphore(%arg13 : memref<!tpu.dma_semaphore, #tpu.memory_space<semaphore_mem>>)
      } else {
      }
      %dma_wait3A_66 = arith.constant 0 : i32
      %dma_wait3A_67 = tpu.memref_slice %arg3[%dma_wait3A_66] : memref<327680xi32, #tpu.memory_space<hbm>> -> memref<128xi32, #tpu.memory_space<hbm>>
      %dma_wait3A_68 = arith.constant 0 : i32
      %dma_wait3A_69 = tpu.memref_slice %arg3[%dma_wait3A_68] : memref<327680xi32, #tpu.memory_space<hbm>> -> memref<128xi32, #tpu.memory_space<hbm>>
      tpu.wait_dma2 semaphore(%arg16 : memref<!tpu.dma_semaphore, #tpu.memory_space<semaphore_mem>>) src(%dma_wait3A_69 : memref<128xi32, #tpu.memory_space<hbm>>) dst(%arg9 : memref<128xi32, #tpu.memory_space<vmem>>)
      %dma_wait3A_70 = arith.constant 0 : i32
      %dma_wait3A_71 = arith.constant 0 : i32
      %dma_wait3A_72 = tpu.memref_slice %arg7[%dma_wait3A_70, %dma_wait3A_71] : memref<80x128xi32, #tpu.memory_space<vmem>> -> memref<1x128xi32, #tpu.memory_space<vmem>>
      %dma_wait3A_73 = tpu.memref_squeeze %dma_wait3A_72 : memref<1x128xi32, #tpu.memory_space<vmem>> -> memref<128xi32, #tpu.memory_space<vmem>>
      %dma_wait3A_74 = arith.constant 0 : i32
      %dma_wait3A_75 = arith.constant 0 : i32
      %dma_wait3A_76 = tpu.memref_slice %arg4[%dma_wait3A_74, %dma_wait3A_75] : memref<10000x128xf32, #tpu.memory_space<hbm>> -> memref<10000x128xf32, #tpu.memory_space<hbm>>
      tpu.wait_indirect_dma semaphore(%arg14 : memref<!tpu.dma_semaphore, #tpu.memory_space<semaphore_mem>>) src(%dma_wait3A_76 : memref<10000x128xf32, #tpu.memory_space<hbm>>) dst(%arg11 : memref<128x128xf32, #tpu.memory_space<vmem>>)
      "tpu.region"() ({
        %run_scoped3A = tpu.sem_alloc : memref<!tpu.dma_semaphore, #tpu.memory_space<semaphore_mem>>
        %dma_start3A_82 = arith.constant 0 : i32
        %dma_start3A_83 = arith.constant 0 : i32
        %dma_start3A_84 = tpu.memref_slice %arg12[%dma_start3A_82, %dma_start3A_83] : memref<10128x128xf32, #tpu.memory_space<vmem_shared>> -> memref<10128x128xf32, #tpu.memory_space<vmem_shared>>
        tpu.enqueue_indirect_dma source(%arg11 : memref<128x128xf32, #tpu.memory_space<vmem>>) target(%dma_start3A_84 : memref<10128x128xf32, #tpu.memory_space<vmem_shared>>) offsets(%arg9 : memref<128xi32, #tpu.memory_space<vmem>>) semaphore(%run_scoped3A : memref<!tpu.dma_semaphore, #tpu.memory_space<semaphore_mem>>) {add = true}
        %dma_wait3A_85 = arith.constant 0 : i32
        %dma_wait3A_86 = arith.constant 0 : i32
        %dma_wait3A_87 = tpu.memref_slice %arg12[%dma_wait3A_85, %dma_wait3A_86] : memref<10128x128xf32, #tpu.memory_space<vmem_shared>> -> memref<10128x128xf32, #tpu.memory_space<vmem_shared>>
        tpu.wait_indirect_dma semaphore(%run_scoped3A : memref<!tpu.dma_semaphore, #tpu.memory_space<semaphore_mem>>) src(%arg11 : memref<128x128xf32, #tpu.memory_space<vmem>>) dst(%dma_wait3A_87 : memref<10128x128xf32, #tpu.memory_space<vmem_shared>>)
        tpu.yield
      }) : () -> ()
      %lt3A_77 = arith.constant 39 : i32
      %lt3A_78 = arith.cmpi slt, %scan3A_48, %lt3A_77 : i32
      %convert_element_type3A_79 = arith.extui %lt3A_78 : i1 to i32
      %cond3A_80 = arith.constant 0 : i32
      %cond3A_81 = arith.cmpi ne, %convert_element_type3A_79, %cond3A_80 : i32
      scf.if %cond3A_81 {
        %add3A_82 = arith.constant 3 : i32
        %add3A_83 = arith.addi %mul3A_50, %add3A_82 : i32
        %mul3A_84 = arith.constant 128 : i32
        %mul3A_85 = arith.muli %add3A_83, %mul3A_84 : i32
        %add3A_86 = arith.addi %mul3A_4, %mul3A_85 : i32
        %dma_start3A_87 = tpu.memref_slice %arg3[%add3A_86] : memref<327680xi32, #tpu.memory_space<hbm>> -> memref<128xi32, #tpu.memory_space<hbm>>
        %dma_start3A_88 = tpu.memref_slice %arg3[%add3A_86] : memref<327680xi32, #tpu.memory_space<hbm>> -> memref<128xi32, #tpu.memory_space<hbm>>
        tpu.enqueue_dma source(%dma_start3A_88 : memref<128xi32, #tpu.memory_space<hbm>>) target(%arg9 : memref<128xi32, #tpu.memory_space<vmem>>) target_semaphore(%arg16 : memref<!tpu.dma_semaphore, #tpu.memory_space<semaphore_mem>>)
        %dma_start3A_89 = arith.constant 0 : i32
        %dma_start3A_90 = tpu.memref_slice %arg7[%add3A_83, %dma_start3A_89] : memref<80x128xi32, #tpu.memory_space<vmem>> -> memref<1x128xi32, #tpu.memory_space<vmem>>
        %dma_start3A_91 = tpu.memref_squeeze %dma_start3A_90 : memref<1x128xi32, #tpu.memory_space<vmem>> -> memref<128xi32, #tpu.memory_space<vmem>>
        %dma_start3A_92 = arith.constant 0 : i32
        %dma_start3A_93 = arith.constant 0 : i32
        %dma_start3A_94 = tpu.memref_slice %arg4[%dma_start3A_92, %dma_start3A_93] : memref<10000x128xf32, #tpu.memory_space<hbm>> -> memref<10000x128xf32, #tpu.memory_space<hbm>>
        tpu.enqueue_indirect_dma source(%dma_start3A_94 : memref<10000x128xf32, #tpu.memory_space<hbm>>) target(%arg11 : memref<128x128xf32, #tpu.memory_space<vmem>>) offsets(%dma_start3A_91 : memref<128xi32, #tpu.memory_space<vmem>>) semaphore(%arg14 : memref<!tpu.dma_semaphore, #tpu.memory_space<semaphore_mem>>)
      } else {
      }
    }
    %scan3A_36 = arith.constant 40 : i32
    %barrier3A_37 = arith.constant 0 : index
    tpu.barrier barrier_id(%barrier3A_37)
    %lt3A_38 = arith.constant 15 : i32
    %lt3A_39 = arith.cmpi slt, %arg1, %lt3A_38 : i32
    %convert_element_type3A_40 = arith.extui %lt3A_39 : i1 to i32
    %cond3A_41 = arith.constant 0 : i32
    %cond3A_42 = arith.cmpi ne, %convert_element_type3A_40, %cond3A_41 : i32
    scf.if %cond3A_42 {
      "tpu.region"() ({
        %run_scoped3A = tpu.sem_alloc : memref<!tpu.dma_semaphore, #tpu.memory_space<semaphore_mem>>
        %dma_start3A_48 = arith.constant 0 : i32
        %dma_start3A_49 = tpu.memref_slice %arg6[%arg0, %mul3A_2, %dma_start3A_48] : memref<2x10000x128xf32, #tpu.memory_space<hbm>> -> memref<1x640x128xf32, #tpu.memory_space<hbm>>
        %dma_start3A_50 = tpu.memref_squeeze %dma_start3A_49 : memref<1x640x128xf32, #tpu.memory_space<hbm>> -> memref<640x128xf32, #tpu.memory_space<hbm>>
        %dma_start3A_51 = arith.constant 0 : i32
        %dma_start3A_52 = tpu.memref_slice %arg12[%mul3A_2, %dma_start3A_51] : memref<10128x128xf32, #tpu.memory_space<vmem_shared>> -> memref<640x128xf32, #tpu.memory_space<vmem_shared>>
        tpu.enqueue_dma source(%dma_start3A_52 : memref<640x128xf32, #tpu.memory_space<vmem_shared>>) target(%dma_start3A_50 : memref<640x128xf32, #tpu.memory_space<hbm>>) target_semaphore(%run_scoped3A : memref<!tpu.dma_semaphore, #tpu.memory_space<semaphore_mem>>)
        %dma_wait3A = arith.constant 0 : i32
        %dma_wait3A_53 = tpu.memref_slice %arg6[%arg0, %mul3A_2, %dma_wait3A] : memref<2x10000x128xf32, #tpu.memory_space<hbm>> -> memref<1x640x128xf32, #tpu.memory_space<hbm>>
        %dma_wait3A_54 = tpu.memref_squeeze %dma_wait3A_53 : memref<1x640x128xf32, #tpu.memory_space<hbm>> -> memref<640x128xf32, #tpu.memory_space<hbm>>
        %dma_wait3A_55 = arith.constant 0 : i32
        %dma_wait3A_56 = tpu.memref_slice %arg12[%mul3A_2, %dma_wait3A_55] : memref<10128x128xf32, #tpu.memory_space<vmem_shared>> -> memref<640x128xf32, #tpu.memory_space<vmem_shared>>
        tpu.wait_dma2 semaphore(%run_scoped3A : memref<!tpu.dma_semaphore, #tpu.memory_space<semaphore_mem>>) src(%dma_wait3A_56 : memref<640x128xf32, #tpu.memory_space<vmem_shared>>) dst(%dma_wait3A_54 : memref<640x128xf32, #tpu.memory_space<hbm>>)
        tpu.yield
      }) : () -> ()
    } else {
    }
    %eq3A_43 = arith.constant 15 : i32
    %eq3A_44 = arith.cmpi eq, %arg1, %eq3A_43 : i32
    %convert_element_type3A_45 = arith.extui %eq3A_44 : i1 to i32
    %cond3A_46 = arith.constant 0 : i32
    %cond3A_47 = arith.cmpi ne, %convert_element_type3A_45, %cond3A_46 : i32
    scf.if %cond3A_47 {
      "tpu.region"() ({
        %run_scoped3A = tpu.sem_alloc : memref<!tpu.dma_semaphore, #tpu.memory_space<semaphore_mem>>
        %dma_start3A_48 = arith.constant 0 : i32
        %dma_start3A_49 = tpu.memref_slice %arg6[%arg0, %mul3A_2, %dma_start3A_48] : memref<2x10000x128xf32, #tpu.memory_space<hbm>> -> memref<1x400x128xf32, #tpu.memory_space<hbm>>
        %dma_start3A_50 = tpu.memref_squeeze %dma_start3A_49 : memref<1x400x128xf32, #tpu.memory_space<hbm>> -> memref<400x128xf32, #tpu.memory_space<hbm>>
        %dma_start3A_51 = arith.constant 0 : i32
        %dma_start3A_52 = tpu.memref_slice %arg12[%mul3A_2, %dma_start3A_51] : memref<10128x128xf32, #tpu.memory_space<vmem_shared>> -> memref<400x128xf32, #tpu.memory_space<vmem_shared>>
        tpu.enqueue_dma source(%dma_start3A_52 : memref<400x128xf32, #tpu.memory_space<vmem_shared>>) target(%dma_start3A_50 : memref<400x128xf32, #tpu.memory_space<hbm>>) target_semaphore(%run_scoped3A : memref<!tpu.dma_semaphore, #tpu.memory_space<semaphore_mem>>)
        %dma_wait3A = arith.constant 0 : i32
        %dma_wait3A_53 = tpu.memref_slice %arg6[%arg0, %mul3A_2, %dma_wait3A] : memref<2x10000x128xf32, #tpu.memory_space<hbm>> -> memref<1x400x128xf32, #tpu.memory_space<hbm>>
        %dma_wait3A_54 = tpu.memref_squeeze %dma_wait3A_53 : memref<1x400x128xf32, #tpu.memory_space<hbm>> -> memref<400x128xf32, #tpu.memory_space<hbm>>
        %dma_wait3A_55 = arith.constant 0 : i32
        %dma_wait3A_56 = tpu.memref_slice %arg12[%mul3A_2, %dma_wait3A_55] : memref<10128x128xf32, #tpu.memory_space<vmem_shared>> -> memref<400x128xf32, #tpu.memory_space<vmem_shared>>
        tpu.wait_dma2 semaphore(%run_scoped3A : memref<!tpu.dma_semaphore, #tpu.memory_space<semaphore_mem>>) src(%dma_wait3A_56 : memref<400x128xf32, #tpu.memory_space<vmem_shared>>) dst(%dma_wait3A_54 : memref<400x128xf32, #tpu.memory_space<hbm>>)
        tpu.yield
      }) : () -> ()
    } else {
    }
    return
  }
}

module attributes {stable_mosaic.version = 14 : i64} {
  func.func @_tc_mm_body(%arg0: i32, %arg1: memref<1000x128xf32, #tpu.memory_space<vmem>>, %arg2: memref<128x128xf32, #tpu.memory_space<vmem>>, %arg3: memref<1000x128xf32, #tpu.memory_space<vmem>>) attributes {dimension_semantics = [#tpu.dimension_semantics<arbitrary>], iteration_bounds = array<i64: 10>, scalar_prefetch = 0 : i64, scratch_operands = 0 : i64, tpu.core_type = #tpu.core_type<tc>, window_params = [{transform_indices = @transform_0, window_bounds = array<i64: 1000, 128>}, {pipeline_mode = #tpu.pipeline_mode<synchronous>, transform_indices = @transform_1, window_bounds = array<i64: 128, 128>}, {transform_indices = @transform_2, window_bounds = array<i64: 1000, 128>}]} {
    %get3A = arith.constant 0 : index
    %get3A_0 = arith.constant 0 : index
    %get3A_1 = vector.load %arg1[%get3A, %get3A_0] : memref<1000x128xf32, #tpu.memory_space<vmem>>, vector<1000x128xf32>
    %get3A_2 = arith.constant 0 : index
    %get3A_3 = arith.constant 0 : index
    %get3A_4 = vector.load %arg2[%get3A_2, %get3A_3] : memref<128x128xf32, #tpu.memory_space<vmem>>, vector<128x128xf32>
    %dot_general3A = arith.constant dense<0.000000e+00> : vector<1000x128xf32>
    %dot_general3A_5 = tpu.matmul %get3A_1, %get3A_4, %dot_general3A {dimension_numbers = #tpu.dot_dimension_numbers<[1], [0], [0], [1], [0, 0, 1, 1], [], []>, transpose_lhs_hint = false} : vector<1000x128xf32>, vector<128x128xf32>, vector<1000x128xf32> -> vector<1000x128xf32>
    %swap3A = arith.constant 0 : index
    %swap3A_6 = arith.constant 0 : index
    %swap3A_7 = vector.load %arg3[%swap3A, %swap3A_6] : memref<1000x128xf32, #tpu.memory_space<vmem>>, vector<1000x128xf32>
    tpu.vector_store %arg3[%swap3A, %swap3A_6], %dot_general3A_5 {strides = array<i32>} : memref<1000x128xf32, #tpu.memory_space<vmem>>, vector<1000x128xf32>,
    return
  }
  func.func @transform_0(%arg0: i32) -> (i32, i32) {
    %c0_i32 = arith.constant 0 : i32
    %c0_i32_0 = arith.constant 0 : i32
    return %arg0, %c0_i32 : i32, i32
  }
  func.func @transform_1(%arg0: i32) -> (i32, i32) {
    %c0_i32 = arith.constant 0 : i32
    %c0_i32_0 = arith.constant 0 : i32
    %c0_i32_1 = arith.constant 0 : i32
    return %c0_i32, %c0_i32_0 : i32, i32
  }
  func.func @transform_2(%arg0: i32) -> (i32, i32) {
    %c0_i32 = arith.constant 0 : i32
    %c0_i32_0 = arith.constant 0 : i32
    return %arg0, %c0_i32 : i32, i32
  }
}

module attributes {stable_mosaic.version = 14 : i64} {
  func.func @_tc_scale_body(%arg0: i32, %arg1: memref<2x1000x1xf32, #tpu.memory_space<vmem>>, %arg2: memref<1000x128xf32, #tpu.memory_space<vmem>>, %arg3: memref<1000x128xf32, #tpu.memory_space<vmem>>) attributes {dimension_semantics = [#tpu.dimension_semantics<arbitrary>], iteration_bounds = array<i64: 10>, scalar_prefetch = 0 : i64, scratch_operands = 0 : i64, tpu.core_type = #tpu.core_type<tc>, window_params = [{transform_indices = @transform_0, window_bounds = array<i64: 2, 1000, 1>}, {transform_indices = @transform_1, window_bounds = array<i64: 1000, 128>}, {transform_indices = @transform_2, window_bounds = array<i64: 1000, 128>}]} {
    %get3A = arith.constant 0 : index
    %get3A_0 = arith.constant 0 : index
    %get3A_1 = vector.load %arg2[%get3A, %get3A_0] : memref<1000x128xf32, #tpu.memory_space<vmem>>, vector<1000x128xf32>
    %get3A_2 = arith.constant 0 : index
    %get3A_3 = arith.constant 0 : index
    %get3A_4 = arith.constant 0 : index
    %get3A_5 = vector.load %arg1[%get3A_2, %get3A_3, %get3A_4] : memref<2x1000x1xf32, #tpu.memory_space<vmem>>, vector<1x1000x1xf32>
    %get3A_6 = vector.shape_cast %get3A_5 : vector<1x1000x1xf32> to vector<1000x1xf32>
    %get3A_7 = arith.constant 1 : index
    %get3A_8 = arith.constant 0 : index
    %get3A_9 = arith.constant 0 : index
    %get3A_10 = vector.load %arg1[%get3A_7, %get3A_8, %get3A_9] : memref<2x1000x1xf32, #tpu.memory_space<vmem>>, vector<1x1000x1xf32>
    %get3A_11 = vector.shape_cast %get3A_10 : vector<1x1000x1xf32> to vector<1000x1xf32>
    %add3A = arith.addf %get3A_6, %get3A_11 : vector<1000x1xf32>
    %add3A_12 = arith.constant 1.000000e+00 : f32
    %add3A_13 = vector.broadcast %add3A_12 : f32 to vector<1000x1xf32>
    %add3A_14 = arith.addf %add3A, %add3A_13 : vector<1000x1xf32>
    %rsqrt3A = math.rsqrt %add3A_14 : vector<1000x1xf32>
    %mul3A = vector.broadcast %rsqrt3A : vector<1000x1xf32> to vector<1000x128xf32>
    %mul3A_15 = arith.mulf %get3A_1, %mul3A : vector<1000x128xf32>
    %swap3A = arith.constant 0 : index
    %swap3A_16 = arith.constant 0 : index
    %swap3A_17 = vector.load %arg3[%swap3A, %swap3A_16] : memref<1000x128xf32, #tpu.memory_space<vmem>>, vector<1000x128xf32>
    tpu.vector_store %arg3[%swap3A, %swap3A_16], %mul3A_15 {strides = array<i32>} : memref<1000x128xf32, #tpu.memory_space<vmem>>, vector<1000x128xf32>,
    return
  }
  func.func @transform_0(%arg0: i32) -> (i32, i32, i32) {
    %c0_i32 = arith.constant 0 : i32
    %c0_i32_0 = arith.constant 0 : i32
    %c0_i32_1 = arith.constant 0 : i32
    return %c0_i32, %arg0, %c0_i32_0 : i32, i32, i32
  }
  func.func @transform_1(%arg0: i32) -> (i32, i32) {
    %c0_i32 = arith.constant 0 : i32
    %c0_i32_0 = arith.constant 0 : i32
    return %arg0, %c0_i32 : i32, i32
  }
  func.func @transform_2(%arg0: i32) -> (i32, i32) {
    %c0_i32 = arith.constant 0 : i32
    %c0_i32_0 = arith.constant 0 : i32
    return %arg0, %c0_i32 : i32, i32
  }
}

module attributes {stable_mosaic.version = 14 : i64} {
  func.func @_tc2_body(%arg0: i32, %arg1: memref<2x1000x1xf32, #tpu.memory_space<vmem>>, %arg2: memref<2x1000x128xf32, #tpu.memory_space<vmem>>, %arg3: memref<1x128xf32, #tpu.memory_space<vmem>>, %arg4: memref<128x128xf32, #tpu.memory_space<vmem>>, %arg5: memref<1000x128xf32, #tpu.memory_space<vmem>>) attributes {dimension_semantics = [#tpu.dimension_semantics<arbitrary>], iteration_bounds = array<i64: 10>, scalar_prefetch = 0 : i64, scratch_operands = 0 : i64, tpu.core_type = #tpu.core_type<tc>, window_params = [{transform_indices = @transform_0, window_bounds = array<i64: 2, 1000, 1>}, {transform_indices = @transform_1, window_bounds = array<i64: 2, 1000, 128>}, {pipeline_mode = #tpu.pipeline_mode<synchronous>, transform_indices = @transform_2, window_bounds = array<i64: 1, 128>}, {pipeline_mode = #tpu.pipeline_mode<synchronous>, transform_indices = @transform_3, window_bounds = array<i64: 128, 128>}, {transform_indices = @transform_4, window_bounds = array<i64: 1000, 128>}]} {
    %get3A = arith.constant 0 : index
    %get3A_0 = arith.constant 0 : index
    %get3A_1 = arith.constant 0 : index
    %get3A_2 = vector.load %arg1[%get3A, %get3A_0, %get3A_1] : memref<2x1000x1xf32, #tpu.memory_space<vmem>>, vector<1x1000x1xf32>
    %get3A_3 = vector.shape_cast %get3A_2 : vector<1x1000x1xf32> to vector<1000x1xf32>
    %get3A_4 = arith.constant 1 : index
    %get3A_5 = arith.constant 0 : index
    %get3A_6 = arith.constant 0 : index
    %get3A_7 = vector.load %arg1[%get3A_4, %get3A_5, %get3A_6] : memref<2x1000x1xf32, #tpu.memory_space<vmem>>, vector<1x1000x1xf32>
    %get3A_8 = vector.shape_cast %get3A_7 : vector<1x1000x1xf32> to vector<1000x1xf32>
    %add3A = arith.addf %get3A_3, %get3A_8 : vector<1000x1xf32>
    %add3A_9 = arith.constant 1.000000e+00 : f32
    %add3A_10 = vector.broadcast %add3A_9 : f32 to vector<1000x1xf32>
    %add3A_11 = arith.addf %add3A, %add3A_10 : vector<1000x1xf32>
    %rsqrt3A = math.rsqrt %add3A_11 : vector<1000x1xf32>
    %get3A_12 = arith.constant 0 : index
    %get3A_13 = arith.constant 0 : index
    %get3A_14 = arith.constant 0 : index
    %get3A_15 = vector.load %arg2[%get3A_12, %get3A_13, %get3A_14] : memref<2x1000x128xf32, #tpu.memory_space<vmem>>, vector<1x1000x128xf32>
    %get3A_16 = vector.shape_cast %get3A_15 : vector<1x1000x128xf32> to vector<1000x128xf32>
    %get3A_17 = arith.constant 1 : index
    %get3A_18 = arith.constant 0 : index
    %get3A_19 = arith.constant 0 : index
    %get3A_20 = vector.load %arg2[%get3A_17, %get3A_18, %get3A_19] : memref<2x1000x128xf32, #tpu.memory_space<vmem>>, vector<1x1000x128xf32>
    %get3A_21 = vector.shape_cast %get3A_20 : vector<1x1000x128xf32> to vector<1000x128xf32>
    %add3A_22 = arith.addf %get3A_16, %get3A_21 : vector<1000x128xf32>
    %mul3A = vector.broadcast %rsqrt3A : vector<1000x1xf32> to vector<1000x128xf32>
    %mul3A_23 = arith.mulf %add3A_22, %mul3A : vector<1000x128xf32>
    %get3A_24 = arith.constant 0 : index
    %get3A_25 = arith.constant 0 : index
    %get3A_26 = vector.load %arg3[%get3A_24, %get3A_25] : memref<1x128xf32, #tpu.memory_space<vmem>>, vector<1x128xf32>
    %add3A_27 = vector.broadcast %get3A_26 : vector<1x128xf32> to vector<1000x128xf32>
    %add3A_28 = arith.addf %mul3A_23, %add3A_27 : vector<1000x128xf32>
    %max3A = arith.constant 0.000000e+00 : f32
    %max3A_29 = vector.broadcast %max3A : f32 to vector<1000x128xf32>
    %max3A_30 = arith.maximumf %add3A_28, %max3A_29 : vector<1000x128xf32>
    %get3A_31 = arith.constant 0 : index
    %get3A_32 = arith.constant 0 : index
    %get3A_33 = vector.load %arg4[%get3A_31, %get3A_32] : memref<128x128xf32, #tpu.memory_space<vmem>>, vector<128x128xf32>
    %dot_general3A = arith.constant dense<0.000000e+00> : vector<1000x128xf32>
    %dot_general3A_34 = tpu.matmul %max3A_30, %get3A_33, %dot_general3A {dimension_numbers = #tpu.dot_dimension_numbers<[1], [0], [0], [1], [0, 0, 1, 1], [], []>, transpose_lhs_hint = false} : vector<1000x128xf32>, vector<128x128xf32>, vector<1000x128xf32> -> vector<1000x128xf32>
    %mul3A_35 = vector.broadcast %rsqrt3A : vector<1000x1xf32> to vector<1000x128xf32>
    %mul3A_36 = arith.mulf %dot_general3A_34, %mul3A_35 : vector<1000x128xf32>
    %swap3A = arith.constant 0 : index
    %swap3A_37 = arith.constant 0 : index
    %swap3A_38 = vector.load %arg5[%swap3A, %swap3A_37] : memref<1000x128xf32, #tpu.memory_space<vmem>>, vector<1000x128xf32>
    tpu.vector_store %arg5[%swap3A, %swap3A_37], %mul3A_36 {strides = array<i32>} : memref<1000x128xf32, #tpu.memory_space<vmem>>, vector<1000x128xf32>,
    return
  }
  func.func @transform_0(%arg0: i32) -> (i32, i32, i32) {
    %c0_i32 = arith.constant 0 : i32
    %c0_i32_0 = arith.constant 0 : i32
    %c0_i32_1 = arith.constant 0 : i32
    return %c0_i32, %arg0, %c0_i32_0 : i32, i32, i32
  }
  func.func @transform_1(%arg0: i32) -> (i32, i32, i32) {
    %c0_i32 = arith.constant 0 : i32
    %c0_i32_0 = arith.constant 0 : i32
    %c0_i32_1 = arith.constant 0 : i32
    return %c0_i32, %arg0, %c0_i32_0 : i32, i32, i32
  }
  func.func @transform_2(%arg0: i32) -> (i32, i32) {
    %c0_i32 = arith.constant 0 : i32
    %c0_i32_0 = arith.constant 0 : i32
    %c0_i32_1 = arith.constant 0 : i32
    return %c0_i32, %c0_i32_0 : i32, i32
  }
  func.func @transform_3(%arg0: i32) -> (i32, i32) {
    %c0_i32 = arith.constant 0 : i32
    %c0_i32_0 = arith.constant 0 : i32
    %c0_i32_1 = arith.constant 0 : i32
    return %c0_i32, %c0_i32_0 : i32, i32
  }
  func.func @transform_4(%arg0: i32) -> (i32, i32) {
    %c0_i32 = arith.constant 0 : i32
    %c0_i32_0 = arith.constant 0 : i32
    return %arg0, %c0_i32 : i32, i32
  }
}

module attributes {stable_mosaic.version = 14 : i64} {
  func.func @_tc3_body(%arg0: i32, %arg1: memref<2x1000x1xf32, #tpu.memory_space<vmem>>, %arg2: memref<2x1000x128xf32, #tpu.memory_space<vmem>>, %arg3: memref<1x128xf32, #tpu.memory_space<vmem>>, %arg4: memref<1000x128xf32, #tpu.memory_space<vmem>>) attributes {dimension_semantics = [#tpu.dimension_semantics<arbitrary>], iteration_bounds = array<i64: 10>, scalar_prefetch = 0 : i64, scratch_operands = 0 : i64, tpu.core_type = #tpu.core_type<tc>, window_params = [{transform_indices = @transform_0, window_bounds = array<i64: 2, 1000, 1>}, {transform_indices = @transform_1, window_bounds = array<i64: 2, 1000, 128>}, {pipeline_mode = #tpu.pipeline_mode<synchronous>, transform_indices = @transform_2, window_bounds = array<i64: 1, 128>}, {transform_indices = @transform_3, window_bounds = array<i64: 1000, 128>}]} {
    %get3A = arith.constant 0 : index
    %get3A_0 = arith.constant 0 : index
    %get3A_1 = arith.constant 0 : index
    %get3A_2 = vector.load %arg2[%get3A, %get3A_0, %get3A_1] : memref<2x1000x128xf32, #tpu.memory_space<vmem>>, vector<1x1000x128xf32>
    %get3A_3 = vector.shape_cast %get3A_2 : vector<1x1000x128xf32> to vector<1000x128xf32>
    %get3A_4 = arith.constant 1 : index
    %get3A_5 = arith.constant 0 : index
    %get3A_6 = arith.constant 0 : index
    %get3A_7 = vector.load %arg2[%get3A_4, %get3A_5, %get3A_6] : memref<2x1000x128xf32, #tpu.memory_space<vmem>>, vector<1x1000x128xf32>
    %get3A_8 = vector.shape_cast %get3A_7 : vector<1x1000x128xf32> to vector<1000x128xf32>
    %add3A = arith.addf %get3A_3, %get3A_8 : vector<1000x128xf32>
    %get3A_9 = arith.constant 0 : index
    %get3A_10 = arith.constant 0 : index
    %get3A_11 = arith.constant 0 : index
    %get3A_12 = vector.load %arg1[%get3A_9, %get3A_10, %get3A_11] : memref<2x1000x1xf32, #tpu.memory_space<vmem>>, vector<1x1000x1xf32>
    %get3A_13 = vector.shape_cast %get3A_12 : vector<1x1000x1xf32> to vector<1000x1xf32>
    %get3A_14 = arith.constant 1 : index
    %get3A_15 = arith.constant 0 : index
    %get3A_16 = arith.constant 0 : index
    %get3A_17 = vector.load %arg1[%get3A_14, %get3A_15, %get3A_16] : memref<2x1000x1xf32, #tpu.memory_space<vmem>>, vector<1x1000x1xf32>
    %get3A_18 = vector.shape_cast %get3A_17 : vector<1x1000x1xf32> to vector<1000x1xf32>
    %add3A_19 = arith.addf %get3A_13, %get3A_18 : vector<1000x1xf32>
    %add3A_20 = arith.constant 1.000000e+00 : f32
    %add3A_21 = vector.broadcast %add3A_20 : f32 to vector<1000x1xf32>
    %add3A_22 = arith.addf %add3A_19, %add3A_21 : vector<1000x1xf32>
    %rsqrt3A = math.rsqrt %add3A_22 : vector<1000x1xf32>
    %mul3A = vector.broadcast %rsqrt3A : vector<1000x1xf32> to vector<1000x128xf32>
    %mul3A_23 = arith.mulf %add3A, %mul3A : vector<1000x128xf32>
    %get3A_24 = arith.constant 0 : index
    %get3A_25 = arith.constant 0 : index
    %get3A_26 = vector.load %arg3[%get3A_24, %get3A_25] : memref<1x128xf32, #tpu.memory_space<vmem>>, vector<1x128xf32>
    %add3A_27 = vector.broadcast %get3A_26 : vector<1x128xf32> to vector<1000x128xf32>
    %add3A_28 = arith.addf %mul3A_23, %add3A_27 : vector<1000x128xf32>
    %swap3A = arith.constant 0 : index
    %swap3A_29 = arith.constant 0 : index
    %swap3A_30 = vector.load %arg4[%swap3A, %swap3A_29] : memref<1000x128xf32, #tpu.memory_space<vmem>>, vector<1000x128xf32>
    tpu.vector_store %arg4[%swap3A, %swap3A_29], %add3A_28 {strides = array<i32>} : memref<1000x128xf32, #tpu.memory_space<vmem>>, vector<1000x128xf32>,
    return
  }
  func.func @transform_0(%arg0: i32) -> (i32, i32, i32) {
    %c0_i32 = arith.constant 0 : i32
    %c0_i32_0 = arith.constant 0 : i32
    %c0_i32_1 = arith.constant 0 : i32
    return %c0_i32, %arg0, %c0_i32_0 : i32, i32, i32
  }
  func.func @transform_1(%arg0: i32) -> (i32, i32, i32) {
    %c0_i32 = arith.constant 0 : i32
    %c0_i32_0 = arith.constant 0 : i32
    %c0_i32_1 = arith.constant 0 : i32
    return %c0_i32, %arg0, %c0_i32_0 : i32, i32, i32
  }
  func.func @transform_2(%arg0: i32) -> (i32, i32) {
    %c0_i32 = arith.constant 0 : i32
    %c0_i32_0 = arith.constant 0 : i32
    %c0_i32_1 = arith.constant 0 : i32
    return %c0_i32, %c0_i32_0 : i32, i32
  }
  func.func @transform_3(%arg0: i32) -> (i32, i32) {
    %c0_i32 = arith.constant 0 : i32
    %c0_i32_0 = arith.constant 0 : i32
    return %arg0, %c0_i32 : i32, i32
  }
}

</mosaic_0001>

<sc_bundles>
// kernel: kernel.12.cloned.1.call-start
scs
__scs_entry_jumppad:
0x0: {  	(pc) =	sbr.rel $0x88, $3  }
0x1: {  	(tag) =	ssettag $0x0;
	lr =	simm.s32 $0x1  }
0x2: {  	[smem:$0x3F9B] =	sst lr;
	_ =	strace $0xD0000000  }
0x3: {  	_ = 	snop  }
0x4: {  	_ = 	snop  }
0x5: {  	_ = 	snop  }
0x6: {  	_ = 	snop  }
0x7: {  	_ = 	snop  }
__scs_overlays_trampoline_lowered:
0x8: {  	[smem:$0x3FAA] =	sst s0  }
0x9: {  	[smem:$0x3FAB] =	sst s1  }
0xa: {  	[smem:$0x3FAC] =	sst s2  }
0xb: {  	[smem:$0x3FAD] =	sst s3  }
0xc: {  	[smem:$0x3FAE] =	sst s4  }
0xd: {  	[smem:$0x3FAF] =	sst s5  }
0xe: {  	[smem:$0x3FB0] =	sst s6  }
0xf: {  	[smem:$0x3FB1] =	sst s7  }
0x10: {  	[smem:$0x3FB2] =	sst s8  }
0x11: {  	[smem:$0x3FB3] =	sst s9;
	s0 =	simm.s32 @!p0 $0x0  }
0x12: {  	s1 =	sld [smem:$0x3F99];
	s0 =	simm.s32 @p0 $0x1  }
0x13: {  	[smem:$0x3FB4] =	sst s0;
	s0 =	simm.s32 @!p1 $0x0  }
0x14: {  	s2 =	sld [smem:$0x3F98];
	s0 =	simm.s32 @p1 $0x1  }
0x15: {  	[smem:$0x3FB5] =	sst s0;
	s0 =	simm.s32 @!p2 $0x0  }
0x16: {  	s3 =	sld [smem:$0x3FDB];
	s0 =	simm.s32 @p2 $0x1  }
0x17: {  	s4 =	simm.s32 $0x1BF5;
	[smem:$0x3FB7] =	sst s0  }
0x18: {  	s0 =	sld [smem:$0x3F9A];
	_ =	swait.ge [sflag:s4], $0x0  }
0x19: {  	s7 =	sld [smem:$0x3F9B]  }
0x1a: {  	s8 =	sadd.s32 $0xFFFFE003, lr  }
0x1b: {  	s9 =	sadd.s32 $0xFFFFFEF7, lr;
	s5 =	simm.s32 $0xFFFFFFFF;
	p2 =	slt.u32 s8, $0xFFFFF086  }
0x1c: {  	p1 =	slt.u32 s9, $0xF7A;
	s5 =	simm.s32 @!p2 $0x0  }
0x1d: {  	s5 =	simm.s32 @p1 $0x1;
	p0 =	seq.s32 s7, s2  }
0x1e: {  	s7 =	smul.u32 @!p0 $0xF7A, s2;
	p2 =	seq.s32 @!p0 s5, $0x0  }
0x1f: {  	s9 =	smul.u32 $0xF7A, s1;
	s8 =	simm.s32 @!p0 $0x1BF5;
	p2 =	por !p2, p0  }
0x20: {  	[sflag:s8] =	ssyncset.s32 @!p0 $0xFFFFF086;
	s6 =	sadd.s32 @!p0 s3, s7;
	s7 =	simm.s32 @!p0 $0x108  }
0x21: {  	s3 =	sadd.s32 s3, s9;
	s6 =	sadd.s32 @!p0 $0x88, s6;
	s7 =	simm.s32 @p2 $0x1082  }
0x22: {  	[simem:s7], [sflag:s8] =	dma.local @!p0 [hbm:s6], $0xF7A  }
0x23: {  	s9 =	sor.u32 $0xD0000000, s2;
	s6 =	simm.s32 $0x108;
	_ =	swait.ge @!p0 [sflag:s8], $0x0  }
0x24: {  	s3 =	sadd.s32 $0x88, s3;
	s6 =	simm.s32 @!p1 $0x1082;
	[sflag:s4] =	ssyncset.s32 $0xFFFFF086  }
0x25: {  	[simem:s6], [sflag:s4] =	dma.local [hbm:s3], $0xF7A  }
0x26: {  	[smem:$0x3F9B] =	sst s1;
	(tag) =	ssettag s2;
	_ =	strace s9  }
0x27: {  	s1 =	sld [smem:$0x3FAB]  }
0x28: {  	s2 =	sld [smem:$0x3FAC]  }
0x29: {  	s4 =	sld [smem:$0x3FAE]  }
0x2a: {  	p0 =	seq.s32 s5, $0x0;
	s5 =	sld [smem:$0x3FAF]  }
0x2b: {  	s6 =	sld [smem:$0x3FB0]  }
0x2c: {  	s7 =	sld [smem:$0x3FB1]  }
0x2d: {  	s3 =	simm.s32 $0x108;
	s8 =	sld [smem:$0x3FB2]  }
0x2e: {  	s3 =	simm.s32 @!p0 $0x1082;
	s9 =	sld [smem:$0x3FB3]  }
0x2f: {  	lr =	sadd.s32 s0, s3;
	s0 =	sld [smem:$0x3FAA]  }
0x30: {  	s3 =	sld [smem:$0x3FAD]  }
0x31: {  	[smem:$0x3FB6] =	sst s10  }
0x32: {  	s10 =	sld [smem:$0x3FB4];
	_ =	sdelay $0x3  }
0x33: {  	p0 =	seq.s32 s10, $0x1;
	s10 =	sld [smem:$0x3FB6];
	_ =	sdelay $0x3  }
0x34: {  	[smem:$0x3FB6] =	sst s10  }
0x35: {  	s10 =	sld [smem:$0x3FB5];
	_ =	sdelay $0x3  }
0x36: {  	p1 =	seq.s32 s10, $0x1;
	s10 =	sld [smem:$0x3FB6];
	_ =	sdelay $0x3  }
0x37: {  	[smem:$0x3FB6] =	sst s10  }
0x38: {  	s10 =	sld [smem:$0x3FB7]  }
0x39: {  	_ = 	snop;
	(pc) =	sbr.ind lr, $3  }
0x3a: {  	_ = 	snop  }
0x3b: {  	_ = 	snop  }
0x3c: {  	p2 =	seq.s32 s10, $0x1;
	s10 =	sld [smem:$0x3FB6]  }
0x3d: {  	_ =	shalt  }
0x3e: {  	_ =	shalt  }
0x3f: {  	_ =	shalt  }
0x40: {  	_ =	shalt  }
0x41: {  	_ =	shalt  }
0x42: {  	_ =	shalt  }
0x43: {  	_ =	shalt  }
0x44: {  	_ =	shalt  }
0x45: {  	_ =	shalt  }
0x46: {  	_ =	shalt  }
0x47: {  	_ =	shalt  }
0x48: {  	_ =	shalt  }
0x49: {  	_ =	shalt  }
0x4a: {  	_ =	shalt  }
0x4b: {  	_ =	shalt  }
0x4c: {  	_ =	shalt  }
0x4d: {  	_ =	shalt  }
0x4e: {  	_ =	shalt  }
0x4f: {  	_ =	shalt  }
0x50: {  	_ =	shalt  }
0x51: {  	_ =	shalt  }
0x52: {  	_ =	shalt  }
0x53: {  	_ =	shalt  }
0x54: {  	_ =	shalt  }
0x55: {  	_ =	shalt  }
0x56: {  	_ =	shalt  }
0x57: {  	_ =	shalt  }
0x58: {  	_ =	shalt  }
0x59: {  	_ =	shalt  }
0x5a: {  	_ =	shalt  }
0x5b: {  	_ =	shalt  }
0x5c: {  	_ =	shalt  }
0x5d: {  	_ =	shalt  }
0x5e: {  	_ =	shalt  }
0x5f: {  	_ =	shalt  }
0x60: {  	_ =	shalt  }
0x61: {  	_ =	shalt  }
0x62: {  	_ =	shalt  }
0x63: {  	_ =	shalt  }
0x64: {  	_ =	shalt  }
0x65: {  	_ =	shalt  }
0x66: {  	_ =	shalt  }
0x67: {  	_ =	shalt  }
0x68: {  	_ =	shalt  }
0x69: {  	_ =	shalt  }
0x6a: {  	_ =	shalt  }
0x6b: {  	_ =	shalt  }
0x6c: {  	_ =	shalt  }
0x6d: {  	_ =	shalt  }
0x6e: {  	_ =	shalt  }
0x6f: {  	_ =	shalt  }
0x70: {  	_ =	shalt  }
0x71: {  	_ =	shalt  }
0x72: {  	_ =	shalt  }
0x73: {  	_ =	shalt  }
0x74: {  	_ =	shalt  }
0x75: {  	_ =	shalt  }
0x76: {  	_ =	shalt  }
0x77: {  	_ =	shalt  }
0x78: {  	_ =	shalt  }
0x79: {  	_ =	shalt  }
0x7a: {  	_ =	shalt  }
0x7b: {  	_ =	shalt  }
0x7c: {  	_ =	shalt  }
0x7d: {  	_ =	shalt  }
0x7e: {  	_ =	shalt  }
0x7f: {  	_ =	shalt  }
0x80: {  	_ =	shalt  }
0x81: {  	_ =	shalt  }
0x82: {  	_ =	shalt  }
0x83: {  	_ =	shalt  }
0x84: {  	_ =	shalt  }
0x85: {  	_ =	shalt  }
0x86: {  	_ =	shalt  }
0x87: {  	_ =	shalt  }
.Lfunc_end0:
.L_simem_size_0:
called_computation.1_lowered:
.L_overlay_start_0:
0x88: {  	s2 =	sld [smem:$0x3FD9]  }
0x89: {  	s3 =	sld [smem:$0x3FFE];
	_ =	sdelay $0x1  }
0x8a: {  	s1 =	srdreg.scid  }
0x8b: {  	s0 =	sand.u32 $0x1, s1  }
0x8c: {  	s17 =	sshll.u32 s0, $0xA;
	s2 =	sadd.s32 s3, s2  }
0x8d: {  	s2 =	sadd.s32 s2, s17  }
0x8e: {  	[smem:$0x3FC2] =	sst s2  }
0x8f: {  	_ = 	snop  }
0x90: {  	s2 =	sld [smem:$0x3FD0];
	(tm) =	ssettm $0x1  }
0x91: {  	s18 =	sld [smem:$0x3FFB];
	_ =	sdelay $0x3  }
0x92: {  	_ =	strace s18  }
0x93: {  	s3 =	sld [smem:$0x3FFC];
	_ =	sdelay $0x3  }
0x94: {  	_ =	strace s3  }
0x95: {  	s3 =	sld [smem:$0x3FFD];
	_ =	sdelay $0x3  }
0x96: {  	_ =	strace s3  }
0x97: {  	_ =	strace $0x8FFFFFFF  }
0x98: {  	s19 =	sld [smem:$0x3FDB];
	_ =	sdelay $0x1  }
0x99: {  	s4 =	simm.s32 $_scs_section_size  }
0x9a: {  	s5 =	simm.s32 $_size__tile_overlayer_lowered;
	s6 =	simm.s32 $_tile_overlayer_lowered  }
0x9b: {  	s22 =	simm.s32 $0x1BFF;
	s21 =	sshll.u32 s6, $0x1;
	s3 =	sadd.s32 s4, s19  }
0x9c: {  	s7 =	simm.s32 $0x0;
	s20 =	sshll.u32 s5, $0x1;
	s5 =	sadd.s32 s21, s3  }
0x9d: {  	[timem:s7], [sflag:s22] =	dma.local [hbm:s5], s20  }
0x9e: {  	_ =	swait.ge [sflag:s22], s20  }
0x9f: {  	s4 =	ssub.s32 $0x0, s20;
	[sflag:s22] =	ssyncset.done $0x0  }
0xa0: {  	[sflag:s22] =	ssyncadd.s32 s4;
	_ =	sdelay $0x1  }
0xa1: {  	s23 =	simm.s32 $0x1B8B  }
0xa2: {  	_ =	swait.ge [sflag:s23], $0x1  }
0xa3: {  	[sflag:s23] =	ssyncset.done $0x0  }
0xa4: {  	s25 =	simm.s32 $0x1B8E;
	s24 =	sld [smem:$0x3FFE];
	[sflag:s23] =	ssyncadd.s32 $0xFFFFFFFF  }
0xa5: {  	s26 =	simm.s32 $execute0_lowered;
	[smem:$0x3FD2] =	sst s25  }
0xa6: {  	s5 =	sshll.u32 s26, $0x1;
	_ =	strace $0x80000049;
	[dreg:$0x1] =	wrdreg $0xFFFFFFFF  }
0xa7: {  	s28 =	simm.s32 $_size_execute0_lowered;
	s3 =	sadd.s32 s3, s5;
	[dreg:$0x0] =	wrdreg $0x0  }
0xa8: {  	s5 =	sshll.u32 s28, $0x1;
	[dreg:$0x2] =	wrdreg s3  }
0xa9: {  	[dreg:$0x3] =	wrdreg s5  }
0xaa: {  	[dreg:$0x4] =	wrdreg $0xC0  }
0xab: {  	_ =	task [dreg:s7], $0x5FFFF  }
0xac: {  	[dreg:$0x1] =	wrdreg $0xFFFFFFFF  }
0xad: {  	[dreg:$0x0] =	wrdreg $0x60  }
0xae: {  	[dreg:$0x2] =	wrdreg s24  }
0xaf: {  	[dreg:$0x3] =	wrdreg s2  }
0xb0: {  	[dreg:$0x4] =	wrdreg $0xA9000  }
0xb1: {  	[dreg:$0x5] =	wrdreg $0x9  }
0xb2: {  	_ =	task.clear_ibuf [dreg:s7], $0x6FFFF;
	_ =	strace $0x90000049  }
0xb3: {  	s29 =	simm.s32 $0x9;
	_ =	strace $0x8000004B  }
0xb4: {  	_ =	swait.ge [sflag:s29], $0x1  }
0xb5: {  	[sflag:s29] =	ssyncadd.s32 $0xFFFFFFFF  }
0xb6: {  	_ =	strace $0x9000004B  }
0xb7: {  	_ =	sfence  }
0xb8: {  	s30 =	sld [smem:$0x0];
	_ =	sdelay $0x2  }
0xb9: {  	s31 =	sshll.u32 s1, $0xD;
	s1 =	sshrl.u32 s1, $0x2  }
0xba: {  	s3 =	sand.u32 $0x4000, s31;
	s1 =	sadd.s32 s1, s30  }
0xbb: {  	s0 =	sor.u32 s3, s0;
	s1 =	sshll.u32 s1, $0x11  }
0xbc: {  	s0 =	sor.u32 s1, s0  }
0xbd: {  	s0 =	sadd.s32 $0x8F2B, s0  }
0xbe: {  	[sflag:s0] =	ssyncadd.remote.s32 $0x1  }
0xbf: {  	_ =	sfence.sel $0xFFFF  }
0xc0: {  	[dreg:$0x0] =	wrdreg $0xFFFFFFFF;
	(pc) =	sbr.abs _section_cstart, $3  }
0xc1: {  	[dreg:$0x1] =	wrdreg $0xFFFFFFFF  }
0xc2: {  	_ =	task.clear_ibuf [dreg:s7], $0x2FFFF;
	_ =	strace $0x9FFFFFFF  }
0xc3: {  	(tm) =	ssettm $0x7FFFFFFF  }
tec
execute0_lowered:
.L_overlay_start_1:
0x0: {  	(tag) =	ssettag $0x1  }
0x1: {  	s6 =	rddreg [dreg:$0x0]  }
0x2: {  	s0 =	srdreg.scid;
	s2 =	rddreg [dreg:$0x1]  }
0x3: {  	s20 =	simm.s32 $0x80;
	s21 =	simm.s32 $0x2900;
	s22 =	simm.s32 $0x2880  }
0x4: {  	s23 =	simm.s32 $0x6900;
	s1 =	sand.u32 $0x1, s0;
	s0 =	stileid.u32  }
0x5: {  	s24 =	simm.s32 $0x3;
	s28 =	simm.s32 $0x2;
	s10 =	smul.u32 $0x50000, s0  }
0x6: {  	s29 =	simm.s32 $0x0;
	s17 =	sadd.s32 $0x1600, s6;
	s14 =	smul.u32 $0x2800, s0  }
0x7: {  	s15 =	sadd.s32 $0x17E00, s6;
	s12 =	sadd.s32 $0x25800, s2;
	s18 =	smul.u32 $0x138800, s1  }
0x8: {  	s3 =	sshll.u32 s1, $0x4;
	s9 =	ssub.s32 $0x2, s1;
	s26 =	smul.u32 $0x14000, s0  }
0x9: {  	s19 =	smul.u32 $0x28000, s1;
	p0 =	seq.s32 s0, $0xF;
	s4 =	sor.u32 s0, s3  }
0xa: {  	s3 =	rddreg [dreg:$0x2];
	s11 =	sshrl.u32 s9, $0x1;
	p2 =	sne.s32 @p0 s1, $0x0  }
0xb: {  	p4 =	sne.s32 @!p0 s1, $0x0;
	s5 =	smul.u32 $0x2800, s4;
	s4 =	simm.s32 $0x0  }
0xc: {  	s16 =	ssub.s32 s9, s11;
	s25 =	sshrl.u32 s10, $0x2;
	s10 =	sadd.s32 s2, s14  }
0xd: {  	s13 =	sadd.s32 s26, s18;
	s11 =	sadd.s32 $0x12C000, s3;
	s18 =	sshrl.u32 s18, $0x3  }
0xe: {  	s14 =	sadd.s32 s14, s19;
	p1 =	por !p2, !p0;
	p2 =	por p2, !p0  }
0xf: {  	p3 =	por !p4, p0;
	p4 =	por p4, p0;
	s26 =	simm.s32 $0x4  }
0x10: {  	[smem:$0x7FF] =	sst s4;
	s9 =	sadd.s32 s25, s3;
	s13 =	sshrl.u32 s13, $0x3  }
0x11: {  	s31 =	sor.u32 $0x100, s14;
	s19 =	sor.u32 $0x180, s14;
	s25 =	simm.s32 $0x1  }
0x12: {  	s7 =	sshrl.u32 s5, $0x3;
	_ =	strace $0x8000004A;
	s5 =	sadd.s32 $0x15600, s6  }
0x13: {  	s13 =	sadd.s32 s15, s13;
	s15 =	sadd.s32 s15, s18;
	s18 =	sshrl.u32 s31, $0x3  }
0x14: {  	s19 =	sshrl.u32 s19, $0x3;
	s8 =	sadd.s32 s7, s6;
	s6 =	sadd.s32 s17, s7  }
0x15: {  	s14 =	sadd.s32 $0x25800, s15;
	s15 =	smax.u32 s16, $0x1;
	s16 =	sadd.s32 s18, s17  }
0x16: {  	s17 =	sadd.s32 s19, s17;
	s18 =	simm.s32 $0x5;
	s30 =	sadd.s32 $0xB600, s8  }
0x17: {  	s19 =	simm.s32 $0x2800;
	s8 =	sadd.s32 $0x10, s6;
	[dreg:$0x4] =	wrdreg s30  }
.LBB2_1:
0x18: {  	s1 =	rddreg [dreg:$0x4]  }
0x19: {  	[tilespmem:s4], [sflag:$0x5] =	stream.linear.gather [hbm4b:s1+s4], $0x2800, $0x38;
	[tilespmem:$0x1E580] =	vst v63  }
0x1a: {  	_ =	swait.ge [sflag:s18], $0x2800  }
0x1b: {  	[sflag:s18] =	ssyncset.done $0x0  }
0x1c: {  	[sflag:s18] =	ssyncadd.s32 $0xFFFFD800  }
0x1d: {  	[tilespmem:s19], [sflag:$0x3] =	stream.linear.gather [hbm4b:s6+s4], $0x80, $0x38;
	[tilespmem:$0x1E580] =	vst v63  }
0x1e: {  	_ = 	snop  }
0x1f: {  	[tilespmem:s21], [sflag:$0x1] =	stream.indirect.gather [hbm4b:s2+s20], $0x80, s4, s20, $0xb8;
	[tilespmem:$0x1E580] =	vst v63  }
0x20: {  	_ = 	snop  }
0x21: {  	[tilespmem:s22], [sflag:$0x4] =	stream.linear.gather [hbm4b:s8+s4], $0x80, $0x38;
	[tilespmem:$0x1E580] =	vst v63  }
0x22: {  	s30 =	simm.s32 @!p1 $0x1FC5;
	s1 =	sshrl.u32 @!p1 s11, $0x3  }
0x23: {  	[tilespmem:s23], [sflag:$0x2] =	stream.indirect.gather [hbm4b:s2+s20], $0x80, s20, s20, $0xb8;
	[tilespmem:$0x1E580] =	vst v63  }
0x24: {  	[spmem:s1], [sflag:s30] =	dma.local @!p1 [hbm:s5], $0x1900  }
0x25: {  	s1 =	simm.s32 @!p1 $0x5  }
0x26: {  	_ =	swait.ge @!p1 [sflag:s1], $0x1900  }
0x27: {  	[sflag:s1] =	ssyncset.done @!p1 $0x0  }
0x28: {  	s30 =	simm.s32 @!p2 $0x1FC5;
	[sflag:s1] =	ssyncadd.s32 @!p1 $0xFFFFE700;
	s1 =	sshrl.u32 @!p2 s11, $0x3  }
0x29: {  	[spmem:s1], [sflag:s30] =	dma.local @!p2 [hbm:s12], $0x1900  }
0x2a: {  	s1 =	simm.s32 @!p2 $0x5  }
0x2b: {  	_ =	swait.ge @!p2 [sflag:s1], $0x1900  }
0x2c: {  	s30 =	sshll.u32 @!p3 s0, $0x6;
	[sflag:s1] =	ssyncset.done @!p2 $0x0  }
0x2d: {  	[sflag:s1] =	ssyncadd.s32 @!p2 $0xFFFFE700;
	s1 =	sor.u32 @!p3 $0x1C05, s30;
	s30 =	sshrl.u32 @!p3 s9, $0x3  }
0x2e: {  	[spmem:s30], [sflag:s1] =	dma.local @!p3 [hbm:s5], $0x2800  }
0x2f: {  	s1 =	simm.s32 @!p3 $0x5  }
0x30: {  	_ =	swait.ge @!p3 [sflag:s1], $0x2800  }
0x31: {  	s30 =	sshll.u32 @!p4 s0, $0x6;
	[sflag:s1] =	ssyncset.done @!p3 $0x0  }
0x32: {  	[sflag:s1] =	ssyncadd.s32 @!p3 $0xFFFFD800;
	s1 =	sor.u32 @!p4 $0x1C05, s30;
	s30 =	sshrl.u32 @!p4 s9, $0x3  }
0x33: {  	[spmem:s30], [sflag:s1] =	dma.local @!p4 [hbm:s10], $0x2800  }
0x34: {  	s1 =	simm.s32 @!p4 $0x5  }
0x35: {  	_ =	swait.ge @!p4 [sflag:s1], $0x2800  }
0x36: {  	[sflag:s1] =	ssyncset.done @!p4 $0x0  }
0x37: {  	[sflag:s1] =	ssyncadd.s32 @!p4 $0xFFFFD800  }
0x38: {  	[bflag:$0x0] =	sbarrier.arrive $0xFFFF  }
0x39: {  	_ =	swait.ge [sflag:s24], $0x80  }
0x3a: {  	[sflag:s24] =	ssyncset.done $0x0  }
0x3b: {  	[sflag:s24] =	ssyncadd.s32 $0xFFFFFF80  }
0x3c: {  	_ =	swait.ge [sflag:s25], $0x4000  }
0x3d: {  	[sflag:s25] =	ssyncset.done $0x0  }
0x3e: {  	[sflag:s25] =	ssyncadd.s32 $0xFFFFC000  }
0x3f: {  	[spmem:s3] =	stream.indirect.scatter.add.f32 [tilespmem:s21], [sflag:$0x5], $0x80, s19, s20, $0xb8;
	[tilespmem:$0x1E580] =	vst v63  }
0x40: {  	_ =	swait.ge [sflag:s18], $0x4000  }
0x41: {  	[sflag:s18] =	ssyncset.done $0x0  }
0x42: {  	s7 =	sadd.s32 $0x0, s16;
	[sflag:s18] =	ssyncadd.s32 $0xFFFFC000  }
0x43: {  	[tilespmem:s19], [sflag:$0x3] =	stream.linear.gather [hbm4b:s7+s4], $0x80, $0x38;
	[tilespmem:$0x1E580] =	vst v63  }
0x44: {  	s7 =	simm.s32 $0x100  }
0x45: {  	[tilespmem:s21], [sflag:$0x1] =	stream.indirect.gather [hbm4b:s2+s20], $0x80, s7, s20, $0xb8;
	[tilespmem:$0x1E580] =	vst v63  }
0x46: {  	_ =	swait.ge [sflag:s26], $0x80  }
0x47: {  	[sflag:s26] =	ssyncset.done $0x0  }
0x48: {  	[sflag:s26] =	ssyncadd.s32 $0xFFFFFF80  }
0x49: {  	_ =	swait.ge [sflag:s28], $0x4000  }
0x4a: {  	[sflag:s28] =	ssyncset.done $0x0  }
0x4b: {  	[sflag:s28] =	ssyncadd.s32 $0xFFFFC000  }
0x4c: {  	[spmem:s3] =	stream.indirect.scatter.add.f32 [tilespmem:s23], [sflag:$0x5], $0x80, s22, s20, $0xb8;
	[tilespmem:$0x1E580] =	vst v63  }
0x4d: {  	_ =	swait.ge [sflag:s18], $0x4000  }
0x4e: {  	s31 =	simm.s32 $0x200;
	s30 =	simm.s32 $0x20;
	[sflag:s18] =	ssyncset.done $0x0  }
0x4f: {  	s1 =	simm.s32 $0x180;
	s7 =	sadd.s32 $0x0, s17;
	[sflag:s18] =	ssyncadd.s32 $0xFFFFC000  }
0x50: {  	[tilespmem:s22], [sflag:$0x4] =	stream.linear.gather [hbm4b:s7+s4], $0x80, $0x38;
	[tilespmem:$0x1E580] =	vst v63  }
.LBB2_2:
0x51: {  	[tilespmem:s23], [sflag:$0x2] =	stream.indirect.gather [hbm4b:s2+s20], $0x80, s1, s20, $0xb8;
	[tilespmem:$0x1E580] =	vst v63  }
0x52: {  	s1 =	smov.u32 s30  }
0x53: {  	p5 =	sne.s32 s30, $0x4C0;
	s30 =	sadd.s32 $0x20, s30;
	_ =	swait.ge [sflag:s24], $0x80  }
0x54: {  	[sflag:s24] =	ssyncset.done $0x0  }
0x55: {  	[sflag:s24] =	ssyncadd.s32 $0xFFFFFF80  }
0x56: {  	_ =	swait.ge [sflag:s25], $0x4000  }
0x57: {  	[sflag:s25] =	ssyncset.done $0x0  }
0x58: {  	[sflag:s25] =	ssyncadd.s32 $0xFFFFC000  }
0x59: {  	[spmem:s3] =	stream.indirect.scatter.add.f32 [tilespmem:s21], [sflag:$0x5], $0x80, s19, s20, $0xb8;
	[tilespmem:$0x1E580] =	vst v63  }
0x5a: {  	_ =	swait.ge [sflag:s18], $0x4000  }
0x5b: {  	[sflag:s18] =	ssyncset.done $0x0  }
0x5c: {  	s7 =	sadd.s32 s1, s16;
	[sflag:s18] =	ssyncadd.s32 $0xFFFFC000  }
0x5d: {  	[tilespmem:s19], [sflag:$0x3] =	stream.linear.gather [hbm4b:s7+s4], $0x80, $0x38;
	[tilespmem:$0x1E580] =	vst v63  }
0x5e: {  	_ = 	snop  }
0x5f: {  	[tilespmem:s21], [sflag:$0x1] =	stream.indirect.gather [hbm4b:s2+s20], $0x80, s31, s20, $0xb8;
	[tilespmem:$0x1E580] =	vst v63  }
0x60: {  	_ =	swait.ge [sflag:s26], $0x80  }
0x61: {  	[sflag:s26] =	ssyncset.done $0x0  }
0x62: {  	[sflag:s26] =	ssyncadd.s32 $0xFFFFFF80  }
0x63: {  	_ =	swait.ge [sflag:s28], $0x4000  }
0x64: {  	[sflag:s28] =	ssyncset.done $0x0  }
0x65: {  	[sflag:s28] =	ssyncadd.s32 $0xFFFFC000  }
0x66: {  	[spmem:s3] =	stream.indirect.scatter.add.f32 [tilespmem:s23], [sflag:$0x5], $0x80, s22, s20, $0xb8;
	[tilespmem:$0x1E580] =	vst v63  }
.Ltmp0:
0x67: {  	_ =	swait.ge [sflag:s18], $0x4000;
	(pc) =	sbr.rel @p5 .LBB2_2-.Ltmp0, $4  }
0x68: {  	[sflag:s18] =	ssyncset.done $0x0  }
0x69: {  	s1 =	sadd.s32 s1, s17;
	[sflag:s18] =	ssyncadd.s32 $0xFFFFC000  }
0x6a: {  	[tilespmem:s22], [sflag:$0x4] =	stream.linear.gather [hbm4b:s1+s4], $0x80, $0x38;
	[tilespmem:$0x1E580] =	vst v63  }
0x6b: {  	s1 =	sadd.s32 $0x80, s31;
	s31 =	sadd.s32 $0x100, s31  }
0x6c: {  	[tilespmem:s23], [sflag:$0x2] =	stream.indirect.gather [hbm4b:s2+s20], $0x80, s1, s20, $0xb8;
	[tilespmem:$0x1E580] =	vst v63  }
0x6d: {  	_ =	swait.ge [sflag:s24], $0x80  }
0x6e: {  	[sflag:s24] =	ssyncset.done $0x0  }
0x6f: {  	[sflag:s24] =	ssyncadd.s32 $0xFFFFFF80  }
0x70: {  	_ =	swait.ge [sflag:s25], $0x4000  }
0x71: {  	[sflag:s25] =	ssyncset.done $0x0  }
0x72: {  	[sflag:s25] =	ssyncadd.s32 $0xFFFFC000  }
0x73: {  	[spmem:s3] =	stream.indirect.scatter.add.f32 [tilespmem:s21], [sflag:$0x5], $0x80, s19, s20, $0xb8;
	[tilespmem:$0x1E580] =	vst v63  }
0x74: {  	_ =	swait.ge [sflag:s18], $0x4000  }
0x75: {  	[sflag:s18] =	ssyncset.done $0x0  }
0x76: {  	[sflag:s18] =	ssyncadd.s32 $0xFFFFC000  }
0x77: {  	_ =	swait.ge [sflag:s26], $0x80  }
0x78: {  	[sflag:s26] =	ssyncset.done $0x0  }
0x79: {  	[sflag:s26] =	ssyncadd.s32 $0xFFFFFF80  }
0x7a: {  	_ =	swait.ge [sflag:s28], $0x4000  }
0x7b: {  	[sflag:s28] =	ssyncset.done $0x0  }
0x7c: {  	[sflag:s28] =	ssyncadd.s32 $0xFFFFC000  }
0x7d: {  	[spmem:s3] =	stream.indirect.scatter.add.f32 [tilespmem:s23], [sflag:$0x5], $0x80, s22, s20, $0xb8;
	[tilespmem:$0x1E580] =	vst v63  }
0x7e: {  	_ =	swait.ge [sflag:s18], $0x4000  }
0x7f: {  	[sflag:s18] =	ssyncset.done $0x0  }
0x80: {  	[sflag:s18] =	ssyncadd.s32 $0xFFFFC000  }
0x81: {  	s1 =	sshrl.u32 @p0 s11, $0x3;
	s7 =	simm.s32 @p0 $0x1FC5;
	[bflag:$0x0] =	sbarrier.arrive $0xFFFF  }
0x82: {  	[hbm:s14], [sflag:s7] =	dma.local @p0 [spmem:s1], $0x1900  }
0x83: {  	s1 =	simm.s32 @p0 $0x5  }
0x84: {  	s29 =	sadd.s32 $0x1, s29;
	_ =	swait.ge @p0 [sflag:s1], $0x1900  }
0x85: {  	p5 =	sne.s32 s29, s15;
	s7 =	sshll.u32 @!p0 s0, $0x6;
	[sflag:s1] =	ssyncset.done @p0 $0x0  }
0x86: {  	[sflag:s1] =	ssyncadd.s32 @p0 $0xFFFFE700;
	s1 =	sor.u32 @!p0 $0x1C05, s7;
	s7 =	sshrl.u32 @!p0 s9, $0x3  }
0x87: {  	[hbm:s13], [sflag:s1] =	dma.local @!p0 [spmem:s7], $0x2800  }
.Ltmp1:
0x88: {  	_ = 	snop;
	(pc) =	sbr.rel @p5 .LBB2_1-.Ltmp1, $4  }
0x89: {  	s1 =	simm.s32 @!p0 $0x5  }
0x8a: {  	_ =	swait.ge @!p0 [sflag:s1], $0x2800  }
0x8b: {  	[sflag:s1] =	ssyncset.done @!p0 $0x0  }
0x8c: {  	[sflag:s1] =	ssyncadd.s32 @!p0 $0xFFFFD800  }
0x8d: {  	_ =	sfence.sel $0x180000  }
0x8e: {  	[bflag:$0x0] =	sbarrier.arrive $0xFFFF  }
0x8f: {  	_ =	strace $0x9000004A  }
0x90: {  	[bflag:$0x2] =	sbarrier.arrive $0xFFFF  }
0x91: {  	p0 =	sne.s32 s0, $0x0;
	s0 =	rddreg [dreg:$0x3]  }
0x92: {  	s0 =	sadd.s32 @!p0 $0x100000, s0  }
0x93: {  	[sflag:s0] =	ssyncadd.tile.s32 @!p0 $0x1;
	_ =	shalt  }
.Lfunc_end2:
_tile_overlayer_lowered:
.L_overlay_start_2:
0x94: {  	(tag) =	ssettag $0x2  }
0x95: {  	s0 =	rddreg [dreg:$0x0];
	s2 =	stileid.u32  }
0x96: {  	s1 =	rddreg [dreg:$0x1];
	p0 =	sne.s32 s2, $0x0  }
0x97: {  	s3 =	rddreg [dreg:$0x2];
	[bflag:$0x3] =	sbarrier.arrive $0xFFFF;
	s2 =	simm.s32 @!p0 $0x1C05  }
0x98: {  	[timem:s3], [sflag:s2] =	dma.local @!p0 [hbm:s0], s1  }
0x99: {  	s0 =	simm.s32 @!p0 $0x5  }
0x9a: {  	_ =	swait.ge @!p0 [sflag:s0], s1  }
0x9b: {  	s1 =	ssub.s32 @!p0 $0x0, s1;
	[sflag:s0] =	ssyncset.done @!p0 $0x0  }
0x9c: {  	[sflag:s0] =	ssyncadd.s32 @!p0 s1  }
0x9d: {  	[bflag:$0x3] =	sbarrier.arrive $0xFFFF  }
0x9e: {  	_ =	shalt  }

// kernel: kernel.15.cloned.1.call-start
scs
__scs_entry_jumppad:
0x0: {  	(pc) =	sbr.rel $0x88, $3  }
0x1: {  	(tag) =	ssettag $0x0;
	lr =	simm.s32 $0x1  }
0x2: {  	[smem:$0x3F9B] =	sst lr;
	_ =	strace $0xD0000000  }
0x3: {  	_ = 	snop  }
0x4: {  	_ = 	snop  }
0x5: {  	_ = 	snop  }
0x6: {  	_ = 	snop  }
0x7: {  	_ = 	snop  }
__scs_overlays_trampoline_lowered:
0x8: {  	[smem:$0x3FAA] =	sst s0  }
0x9: {  	[smem:$0x3FAB] =	sst s1  }
0xa: {  	[smem:$0x3FAC] =	sst s2  }
0xb: {  	[smem:$0x3FAD] =	sst s3  }
0xc: {  	[smem:$0x3FAE] =	sst s4  }
0xd: {  	[smem:$0x3FAF] =	sst s5  }
0xe: {  	[smem:$0x3FB0] =	sst s6  }
0xf: {  	[smem:$0x3FB1] =	sst s7  }
0x10: {  	[smem:$0x3FB2] =	sst s8  }
0x11: {  	[smem:$0x3FB3] =	sst s9;
	s0 =	simm.s32 @!p0 $0x0  }
0x12: {  	s1 =	sld [smem:$0x3F99];
	s0 =	simm.s32 @p0 $0x1  }
0x13: {  	[smem:$0x3FB4] =	sst s0;
	s0 =	simm.s32 @!p1 $0x0  }
0x14: {  	s2 =	sld [smem:$0x3F98];
	s0 =	simm.s32 @p1 $0x1  }
0x15: {  	[smem:$0x3FB5] =	sst s0;
	s0 =	simm.s32 @!p2 $0x0  }
0x16: {  	s3 =	sld [smem:$0x3FDB];
	s0 =	simm.s32 @p2 $0x1  }
0x17: {  	s4 =	simm.s32 $0x1BF5;
	[smem:$0x3FB7] =	sst s0  }
0x18: {  	s0 =	sld [smem:$0x3F9A];
	_ =	swait.ge [sflag:s4], $0x0  }
0x19: {  	s7 =	sld [smem:$0x3F9B]  }
0x1a: {  	s8 =	sadd.s32 $0xFFFFE003, lr  }
0x1b: {  	s9 =	sadd.s32 $0xFFFFFEF7, lr;
	s5 =	simm.s32 $0xFFFFFFFF;
	p2 =	slt.u32 s8, $0xFFFFF086  }
0x1c: {  	p1 =	slt.u32 s9, $0xF7A;
	s5 =	simm.s32 @!p2 $0x0  }
0x1d: {  	s5 =	simm.s32 @p1 $0x1;
	p0 =	seq.s32 s7, s2  }
0x1e: {  	s7 =	smul.u32 @!p0 $0xF7A, s2;
	p2 =	seq.s32 @!p0 s5, $0x0  }
0x1f: {  	s9 =	smul.u32 $0xF7A, s1;
	s8 =	simm.s32 @!p0 $0x1BF5;
	p2 =	por !p2, p0  }
0x20: {  	[sflag:s8] =	ssyncset.s32 @!p0 $0xFFFFF086;
	s6 =	sadd.s32 @!p0 s3, s7;
	s7 =	simm.s32 @!p0 $0x108  }
0x21: {  	s3 =	sadd.s32 s3, s9;
	s6 =	sadd.s32 @!p0 $0x88, s6;
	s7 =	simm.s32 @p2 $0x1082  }
0x22: {  	[simem:s7], [sflag:s8] =	dma.local @!p0 [hbm:s6], $0xF7A  }
0x23: {  	s9 =	sor.u32 $0xD0000000, s2;
	s6 =	simm.s32 $0x108;
	_ =	swait.ge @!p0 [sflag:s8], $0x0  }
0x24: {  	s3 =	sadd.s32 $0x88, s3;
	s6 =	simm.s32 @!p1 $0x1082;
	[sflag:s4] =	ssyncset.s32 $0xFFFFF086  }
0x25: {  	[simem:s6], [sflag:s4] =	dma.local [hbm:s3], $0xF7A  }
0x26: {  	[smem:$0x3F9B] =	sst s1;
	(tag) =	ssettag s2;
	_ =	strace s9  }
0x27: {  	s1 =	sld [smem:$0x3FAB]  }
0x28: {  	s2 =	sld [smem:$0x3FAC]  }
0x29: {  	s4 =	sld [smem:$0x3FAE]  }
0x2a: {  	p0 =	seq.s32 s5, $0x0;
	s5 =	sld [smem:$0x3FAF]  }
0x2b: {  	s6 =	sld [smem:$0x3FB0]  }
0x2c: {  	s7 =	sld [smem:$0x3FB1]  }
0x2d: {  	s3 =	simm.s32 $0x108;
	s8 =	sld [smem:$0x3FB2]  }
0x2e: {  	s3 =	simm.s32 @!p0 $0x1082;
	s9 =	sld [smem:$0x3FB3]  }
0x2f: {  	lr =	sadd.s32 s0, s3;
	s0 =	sld [smem:$0x3FAA]  }
0x30: {  	s3 =	sld [smem:$0x3FAD]  }
0x31: {  	[smem:$0x3FB6] =	sst s10  }
0x32: {  	s10 =	sld [smem:$0x3FB4];
	_ =	sdelay $0x3  }
0x33: {  	p0 =	seq.s32 s10, $0x1;
	s10 =	sld [smem:$0x3FB6];
	_ =	sdelay $0x3  }
0x34: {  	[smem:$0x3FB6] =	sst s10  }
0x35: {  	s10 =	sld [smem:$0x3FB5];
	_ =	sdelay $0x3  }
0x36: {  	p1 =	seq.s32 s10, $0x1;
	s10 =	sld [smem:$0x3FB6];
	_ =	sdelay $0x3  }
0x37: {  	[smem:$0x3FB6] =	sst s10  }
0x38: {  	s10 =	sld [smem:$0x3FB7]  }
0x39: {  	_ = 	snop;
	(pc) =	sbr.ind lr, $3  }
0x3a: {  	_ = 	snop  }
0x3b: {  	_ = 	snop  }
0x3c: {  	p2 =	seq.s32 s10, $0x1;
	s10 =	sld [smem:$0x3FB6]  }
0x3d: {  	_ =	shalt  }
0x3e: {  	_ =	shalt  }
0x3f: {  	_ =	shalt  }
0x40: {  	_ =	shalt  }
0x41: {  	_ =	shalt  }
0x42: {  	_ =	shalt  }
0x43: {  	_ =	shalt  }
0x44: {  	_ =	shalt  }
0x45: {  	_ =	shalt  }
0x46: {  	_ =	shalt  }
0x47: {  	_ =	shalt  }
0x48: {  	_ =	shalt  }
0x49: {  	_ =	shalt  }
0x4a: {  	_ =	shalt  }
0x4b: {  	_ =	shalt  }
0x4c: {  	_ =	shalt  }
0x4d: {  	_ =	shalt  }
0x4e: {  	_ =	shalt  }
0x4f: {  	_ =	shalt  }
0x50: {  	_ =	shalt  }
0x51: {  	_ =	shalt  }
0x52: {  	_ =	shalt  }
0x53: {  	_ =	shalt  }
0x54: {  	_ =	shalt  }
0x55: {  	_ =	shalt  }
0x56: {  	_ =	shalt  }
0x57: {  	_ =	shalt  }
0x58: {  	_ =	shalt  }
0x59: {  	_ =	shalt  }
0x5a: {  	_ =	shalt  }
0x5b: {  	_ =	shalt  }
0x5c: {  	_ =	shalt  }
0x5d: {  	_ =	shalt  }
0x5e: {  	_ =	shalt  }
0x5f: {  	_ =	shalt  }
0x60: {  	_ =	shalt  }
0x61: {  	_ =	shalt  }
0x62: {  	_ =	shalt  }
0x63: {  	_ =	shalt  }
0x64: {  	_ =	shalt  }
0x65: {  	_ =	shalt  }
0x66: {  	_ =	shalt  }
0x67: {  	_ =	shalt  }
0x68: {  	_ =	shalt  }
0x69: {  	_ =	shalt  }
0x6a: {  	_ =	shalt  }
0x6b: {  	_ =	shalt  }
0x6c: {  	_ =	shalt  }
0x6d: {  	_ =	shalt  }
0x6e: {  	_ =	shalt  }
0x6f: {  	_ =	shalt  }
0x70: {  	_ =	shalt  }
0x71: {  	_ =	shalt  }
0x72: {  	_ =	shalt  }
0x73: {  	_ =	shalt  }
0x74: {  	_ =	shalt  }
0x75: {  	_ =	shalt  }
0x76: {  	_ =	shalt  }
0x77: {  	_ =	shalt  }
0x78: {  	_ =	shalt  }
0x79: {  	_ =	shalt  }
0x7a: {  	_ =	shalt  }
0x7b: {  	_ =	shalt  }
0x7c: {  	_ =	shalt  }
0x7d: {  	_ =	shalt  }
0x7e: {  	_ =	shalt  }
0x7f: {  	_ =	shalt  }
0x80: {  	_ =	shalt  }
0x81: {  	_ =	shalt  }
0x82: {  	_ =	shalt  }
0x83: {  	_ =	shalt  }
0x84: {  	_ =	shalt  }
0x85: {  	_ =	shalt  }
0x86: {  	_ =	shalt  }
0x87: {  	_ =	shalt  }
.Lfunc_end0:
.L_simem_size_0:
called_computation.2_lowered:
.L_overlay_start_0:
0x88: {  	s2 =	sld [smem:$0x3FD9]  }
0x89: {  	s3 =	sld [smem:$0x3FFE];
	_ =	sdelay $0x1  }
0x8a: {  	s1 =	srdreg.scid  }
0x8b: {  	s0 =	sand.u32 $0x1, s1  }
0x8c: {  	s17 =	sshll.u32 s0, $0xA;
	s2 =	sadd.s32 s3, s2  }
0x8d: {  	s2 =	sadd.s32 s2, s17  }
0x8e: {  	[smem:$0x3FC2] =	sst s2  }
0x8f: {  	_ = 	snop  }
0x90: {  	s2 =	sld [smem:$0x3FD0];
	(tm) =	ssettm $0x1  }
0x91: {  	s18 =	sld [smem:$0x3FFB];
	_ =	sdelay $0x3  }
0x92: {  	_ =	strace s18  }
0x93: {  	s3 =	sld [smem:$0x3FFC];
	_ =	sdelay $0x3  }
0x94: {  	_ =	strace s3  }
0x95: {  	s3 =	sld [smem:$0x3FFD];
	_ =	sdelay $0x3  }
0x96: {  	_ =	strace s3  }
0x97: {  	_ =	strace $0x8FFFFFFF  }
0x98: {  	s19 =	sld [smem:$0x3FDB];
	_ =	sdelay $0x1  }
0x99: {  	s4 =	simm.s32 $_scs_section_size  }
0x9a: {  	s5 =	simm.s32 $_size__tile_overlayer_lowered;
	s6 =	simm.s32 $_tile_overlayer_lowered  }
0x9b: {  	s22 =	simm.s32 $0x1BFF;
	s21 =	sshll.u32 s6, $0x1;
	s3 =	sadd.s32 s4, s19  }
0x9c: {  	s7 =	simm.s32 $0x0;
	s20 =	sshll.u32 s5, $0x1;
	s5 =	sadd.s32 s21, s3  }
0x9d: {  	[timem:s7], [sflag:s22] =	dma.local [hbm:s5], s20  }
0x9e: {  	_ =	swait.ge [sflag:s22], s20  }
0x9f: {  	s4 =	ssub.s32 $0x0, s20;
	[sflag:s22] =	ssyncset.done $0x0  }
0xa0: {  	[sflag:s22] =	ssyncadd.s32 s4;
	_ =	sdelay $0x1  }
0xa1: {  	s23 =	simm.s32 $0x1B8B  }
0xa2: {  	_ =	swait.ge [sflag:s23], $0x1  }
0xa3: {  	[sflag:s23] =	ssyncset.done $0x0  }
0xa4: {  	s25 =	simm.s32 $0x1B8E;
	s24 =	sld [smem:$0x3FFE];
	[sflag:s23] =	ssyncadd.s32 $0xFFFFFFFF  }
0xa5: {  	s26 =	simm.s32 $execute0_lowered;
	[smem:$0x3FD2] =	sst s25  }
0xa6: {  	s5 =	sshll.u32 s26, $0x1;
	_ =	strace $0x8000004C;
	[dreg:$0x1] =	wrdreg $0xFFFFFFFF  }
0xa7: {  	s28 =	simm.s32 $_size_execute0_lowered;
	s3 =	sadd.s32 s3, s5;
	[dreg:$0x0] =	wrdreg $0x0  }
0xa8: {  	s5 =	sshll.u32 s28, $0x1;
	[dreg:$0x2] =	wrdreg s3  }
0xa9: {  	[dreg:$0x3] =	wrdreg s5  }
0xaa: {  	[dreg:$0x4] =	wrdreg $0xC0  }
0xab: {  	_ =	task [dreg:s7], $0x5FFFF  }
0xac: {  	[dreg:$0x1] =	wrdreg $0xFFFFFFFF  }
0xad: {  	[dreg:$0x0] =	wrdreg $0x60  }
0xae: {  	[dreg:$0x2] =	wrdreg s24  }
0xaf: {  	[dreg:$0x3] =	wrdreg s2  }
0xb0: {  	[dreg:$0x4] =	wrdreg $0xA9000  }
0xb1: {  	[dreg:$0x5] =	wrdreg $0x9  }
0xb2: {  	_ =	task.clear_ibuf [dreg:s7], $0x6FFFF;
	_ =	strace $0x9000004C  }
0xb3: {  	s29 =	simm.s32 $0x9;
	_ =	strace $0x8000004E  }
0xb4: {  	_ =	swait.ge [sflag:s29], $0x1  }
0xb5: {  	[sflag:s29] =	ssyncadd.s32 $0xFFFFFFFF  }
0xb6: {  	_ =	strace $0x9000004E  }
0xb7: {  	_ =	sfence  }
0xb8: {  	s30 =	sld [smem:$0x0];
	_ =	sdelay $0x2  }
0xb9: {  	s31 =	sshll.u32 s1, $0xD;
	s1 =	sshrl.u32 s1, $0x2  }
0xba: {  	s3 =	sand.u32 $0x4000, s31;
	s1 =	sadd.s32 s1, s30  }
0xbb: {  	s0 =	sor.u32 s3, s0;
	s1 =	sshll.u32 s1, $0x11  }
0xbc: {  	s0 =	sor.u32 s1, s0  }
0xbd: {  	s0 =	sadd.s32 $0x8F2B, s0  }
0xbe: {  	[sflag:s0] =	ssyncadd.remote.s32 $0x1  }
0xbf: {  	_ =	sfence.sel $0xFFFF  }
0xc0: {  	[dreg:$0x0] =	wrdreg $0xFFFFFFFF;
	(pc) =	sbr.abs _section_cstart, $3  }
0xc1: {  	[dreg:$0x1] =	wrdreg $0xFFFFFFFF  }
0xc2: {  	_ =	task.clear_ibuf [dreg:s7], $0x2FFFF;
	_ =	strace $0x9FFFFFFF  }
0xc3: {  	(tm) =	ssettm $0x7FFFFFFF  }
tec
execute0_lowered:
.L_overlay_start_1:
0x0: {  	(tag) =	ssettag $0x1  }
0x1: {  	s6 =	rddreg [dreg:$0x0]  }
0x2: {  	s0 =	srdreg.scid;
	s2 =	rddreg [dreg:$0x1]  }
0x3: {  	s20 =	simm.s32 $0x80;
	s21 =	simm.s32 $0x2900;
	s22 =	simm.s32 $0x2880  }
0x4: {  	s23 =	simm.s32 $0x6900;
	s1 =	sand.u32 $0x1, s0;
	s0 =	stileid.u32  }
0x5: {  	s24 =	simm.s32 $0x3;
	s28 =	simm.s32 $0x2;
	s10 =	smul.u32 $0x50000, s0  }
0x6: {  	s29 =	simm.s32 $0x0;
	s17 =	sadd.s32 $0x1600, s6;
	s14 =	smul.u32 $0x2800, s0  }
0x7: {  	s15 =	sadd.s32 $0x17E00, s6;
	s12 =	sadd.s32 $0x25800, s2;
	s18 =	smul.u32 $0x138800, s1  }
0x8: {  	s3 =	sshll.u32 s1, $0x4;
	s9 =	ssub.s32 $0x2, s1;
	s26 =	smul.u32 $0x14000, s0  }
0x9: {  	s19 =	smul.u32 $0x28000, s1;
	p0 =	seq.s32 s0, $0xF;
	s4 =	sor.u32 s0, s3  }
0xa: {  	s3 =	rddreg [dreg:$0x2];
	s11 =	sshrl.u32 s9, $0x1;
	p2 =	sne.s32 @p0 s1, $0x0  }
0xb: {  	p4 =	sne.s32 @!p0 s1, $0x0;
	s5 =	smul.u32 $0x2800, s4;
	s4 =	simm.s32 $0x0  }
0xc: {  	s16 =	ssub.s32 s9, s11;
	s25 =	sshrl.u32 s10, $0x2;
	s10 =	sadd.s32 s2, s14  }
0xd: {  	s13 =	sadd.s32 s26, s18;
	s11 =	sadd.s32 $0x12C000, s3;
	s18 =	sshrl.u32 s18, $0x3  }
0xe: {  	s14 =	sadd.s32 s14, s19;
	p1 =	por !p2, !p0;
	p2 =	por p2, !p0  }
0xf: {  	p3 =	por !p4, p0;
	p4 =	por p4, p0;
	s26 =	simm.s32 $0x4  }
0x10: {  	[smem:$0x7FF] =	sst s4;
	s9 =	sadd.s32 s25, s3;
	s13 =	sshrl.u32 s13, $0x3  }
0x11: {  	s31 =	sor.u32 $0x100, s14;
	s19 =	sor.u32 $0x180, s14;
	s25 =	simm.s32 $0x1  }
0x12: {  	s7 =	sshrl.u32 s5, $0x3;
	_ =	strace $0x8000004D;
	s5 =	sadd.s32 $0x15600, s6  }
0x13: {  	s13 =	sadd.s32 s15, s13;
	s15 =	sadd.s32 s15, s18;
	s18 =	sshrl.u32 s31, $0x3  }
0x14: {  	s19 =	sshrl.u32 s19, $0x3;
	s8 =	sadd.s32 s7, s6;
	s6 =	sadd.s32 s17, s7  }
0x15: {  	s14 =	sadd.s32 $0x25800, s15;
	s15 =	smax.u32 s16, $0x1;
	s16 =	sadd.s32 s18, s17  }
0x16: {  	s17 =	sadd.s32 s19, s17;
	s18 =	simm.s32 $0x5;
	s30 =	sadd.s32 $0xB600, s8  }
0x17: {  	s19 =	simm.s32 $0x2800;
	s8 =	sadd.s32 $0x10, s6;
	[dreg:$0x4] =	wrdreg s30  }
.LBB2_1:
0x18: {  	s1 =	rddreg [dreg:$0x4]  }
0x19: {  	[tilespmem:s4], [sflag:$0x5] =	stream.linear.gather [hbm4b:s1+s4], $0x2800, $0x38;
	[tilespmem:$0x1E580] =	vst v63  }
0x1a: {  	_ =	swait.ge [sflag:s18], $0x2800  }
0x1b: {  	[sflag:s18] =	ssyncset.done $0x0  }
0x1c: {  	[sflag:s18] =	ssyncadd.s32 $0xFFFFD800  }
0x1d: {  	[tilespmem:s19], [sflag:$0x3] =	stream.linear.gather [hbm4b:s6+s4], $0x80, $0x38;
	[tilespmem:$0x1E580] =	vst v63  }
0x1e: {  	_ = 	snop  }
0x1f: {  	[tilespmem:s21], [sflag:$0x1] =	stream.indirect.gather [hbm4b:s2+s20], $0x80, s4, s20, $0xb8;
	[tilespmem:$0x1E580] =	vst v63  }
0x20: {  	_ = 	snop  }
0x21: {  	[tilespmem:s22], [sflag:$0x4] =	stream.linear.gather [hbm4b:s8+s4], $0x80, $0x38;
	[tilespmem:$0x1E580] =	vst v63  }
0x22: {  	s30 =	simm.s32 @!p1 $0x1FC5;
	s1 =	sshrl.u32 @!p1 s11, $0x3  }
0x23: {  	[tilespmem:s23], [sflag:$0x2] =	stream.indirect.gather [hbm4b:s2+s20], $0x80, s20, s20, $0xb8;
	[tilespmem:$0x1E580] =	vst v63  }
0x24: {  	[spmem:s1], [sflag:s30] =	dma.local @!p1 [hbm:s5], $0x1900  }
0x25: {  	s1 =	simm.s32 @!p1 $0x5  }
0x26: {  	_ =	swait.ge @!p1 [sflag:s1], $0x1900  }
0x27: {  	[sflag:s1] =	ssyncset.done @!p1 $0x0  }
0x28: {  	s30 =	simm.s32 @!p2 $0x1FC5;
	[sflag:s1] =	ssyncadd.s32 @!p1 $0xFFFFE700;
	s1 =	sshrl.u32 @!p2 s11, $0x3  }
0x29: {  	[spmem:s1], [sflag:s30] =	dma.local @!p2 [hbm:s12], $0x1900  }
0x2a: {  	s1 =	simm.s32 @!p2 $0x5  }
0x2b: {  	_ =	swait.ge @!p2 [sflag:s1], $0x1900  }
0x2c: {  	s30 =	sshll.u32 @!p3 s0, $0x6;
	[sflag:s1] =	ssyncset.done @!p2 $0x0  }
0x2d: {  	[sflag:s1] =	ssyncadd.s32 @!p2 $0xFFFFE700;
	s1 =	sor.u32 @!p3 $0x1C05, s30;
	s30 =	sshrl.u32 @!p3 s9, $0x3  }
0x2e: {  	[spmem:s30], [sflag:s1] =	dma.local @!p3 [hbm:s5], $0x2800  }
0x2f: {  	s1 =	simm.s32 @!p3 $0x5  }
0x30: {  	_ =	swait.ge @!p3 [sflag:s1], $0x2800  }
0x31: {  	s30 =	sshll.u32 @!p4 s0, $0x6;
	[sflag:s1] =	ssyncset.done @!p3 $0x0  }
0x32: {  	[sflag:s1] =	ssyncadd.s32 @!p3 $0xFFFFD800;
	s1 =	sor.u32 @!p4 $0x1C05, s30;
	s30 =	sshrl.u32 @!p4 s9, $0x3  }
0x33: {  	[spmem:s30], [sflag:s1] =	dma.local @!p4 [hbm:s10], $0x2800  }
0x34: {  	s1 =	simm.s32 @!p4 $0x5  }
0x35: {  	_ =	swait.ge @!p4 [sflag:s1], $0x2800  }
0x36: {  	[sflag:s1] =	ssyncset.done @!p4 $0x0  }
0x37: {  	[sflag:s1] =	ssyncadd.s32 @!p4 $0xFFFFD800  }
0x38: {  	[bflag:$0x0] =	sbarrier.arrive $0xFFFF  }
0x39: {  	_ =	swait.ge [sflag:s24], $0x80  }
0x3a: {  	[sflag:s24] =	ssyncset.done $0x0  }
0x3b: {  	[sflag:s24] =	ssyncadd.s32 $0xFFFFFF80  }
0x3c: {  	_ =	swait.ge [sflag:s25], $0x4000  }
0x3d: {  	[sflag:s25] =	ssyncset.done $0x0  }
0x3e: {  	[sflag:s25] =	ssyncadd.s32 $0xFFFFC000  }
0x3f: {  	[spmem:s3] =	stream.indirect.scatter.add.f32 [tilespmem:s21], [sflag:$0x5], $0x80, s19, s20, $0xb8;
	[tilespmem:$0x1E580] =	vst v63  }
0x40: {  	_ =	swait.ge [sflag:s18], $0x4000  }
0x41: {  	[sflag:s18] =	ssyncset.done $0x0  }
0x42: {  	s7 =	sadd.s32 $0x0, s16;
	[sflag:s18] =	ssyncadd.s32 $0xFFFFC000  }
0x43: {  	[tilespmem:s19], [sflag:$0x3] =	stream.linear.gather [hbm4b:s7+s4], $0x80, $0x38;
	[tilespmem:$0x1E580] =	vst v63  }
0x44: {  	s7 =	simm.s32 $0x100  }
0x45: {  	[tilespmem:s21], [sflag:$0x1] =	stream.indirect.gather [hbm4b:s2+s20], $0x80, s7, s20, $0xb8;
	[tilespmem:$0x1E580] =	vst v63  }
0x46: {  	_ =	swait.ge [sflag:s26], $0x80  }
0x47: {  	[sflag:s26] =	ssyncset.done $0x0  }
0x48: {  	[sflag:s26] =	ssyncadd.s32 $0xFFFFFF80  }
0x49: {  	_ =	swait.ge [sflag:s28], $0x4000  }
0x4a: {  	[sflag:s28] =	ssyncset.done $0x0  }
0x4b: {  	[sflag:s28] =	ssyncadd.s32 $0xFFFFC000  }
0x4c: {  	[spmem:s3] =	stream.indirect.scatter.add.f32 [tilespmem:s23], [sflag:$0x5], $0x80, s22, s20, $0xb8;
	[tilespmem:$0x1E580] =	vst v63  }
0x4d: {  	_ =	swait.ge [sflag:s18], $0x4000  }
0x4e: {  	s31 =	simm.s32 $0x200;
	s30 =	simm.s32 $0x20;
	[sflag:s18] =	ssyncset.done $0x0  }
0x4f: {  	s1 =	simm.s32 $0x180;
	s7 =	sadd.s32 $0x0, s17;
	[sflag:s18] =	ssyncadd.s32 $0xFFFFC000  }
0x50: {  	[tilespmem:s22], [sflag:$0x4] =	stream.linear.gather [hbm4b:s7+s4], $0x80, $0x38;
	[tilespmem:$0x1E580] =	vst v63  }
.LBB2_2:
0x51: {  	[tilespmem:s23], [sflag:$0x2] =	stream.indirect.gather [hbm4b:s2+s20], $0x80, s1, s20, $0xb8;
	[tilespmem:$0x1E580] =	vst v63  }
0x52: {  	s1 =	smov.u32 s30  }
0x53: {  	p5 =	sne.s32 s30, $0x4C0;
	s30 =	sadd.s32 $0x20, s30;
	_ =	swait.ge [sflag:s24], $0x80  }
0x54: {  	[sflag:s24] =	ssyncset.done $0x0  }
0x55: {  	[sflag:s24] =	ssyncadd.s32 $0xFFFFFF80  }
0x56: {  	_ =	swait.ge [sflag:s25], $0x4000  }
0x57: {  	[sflag:s25] =	ssyncset.done $0x0  }
0x58: {  	[sflag:s25] =	ssyncadd.s32 $0xFFFFC000  }
0x59: {  	[spmem:s3] =	stream.indirect.scatter.add.f32 [tilespmem:s21], [sflag:$0x5], $0x80, s19, s20, $0xb8;
	[tilespmem:$0x1E580] =	vst v63  }
0x5a: {  	_ =	swait.ge [sflag:s18], $0x4000  }
0x5b: {  	[sflag:s18] =	ssyncset.done $0x0  }
0x5c: {  	s7 =	sadd.s32 s1, s16;
	[sflag:s18] =	ssyncadd.s32 $0xFFFFC000  }
0x5d: {  	[tilespmem:s19], [sflag:$0x3] =	stream.linear.gather [hbm4b:s7+s4], $0x80, $0x38;
	[tilespmem:$0x1E580] =	vst v63  }
0x5e: {  	_ = 	snop  }
0x5f: {  	[tilespmem:s21], [sflag:$0x1] =	stream.indirect.gather [hbm4b:s2+s20], $0x80, s31, s20, $0xb8;
	[tilespmem:$0x1E580] =	vst v63  }
0x60: {  	_ =	swait.ge [sflag:s26], $0x80  }
0x61: {  	[sflag:s26] =	ssyncset.done $0x0  }
0x62: {  	[sflag:s26] =	ssyncadd.s32 $0xFFFFFF80  }
0x63: {  	_ =	swait.ge [sflag:s28], $0x4000  }
0x64: {  	[sflag:s28] =	ssyncset.done $0x0  }
0x65: {  	[sflag:s28] =	ssyncadd.s32 $0xFFFFC000  }
0x66: {  	[spmem:s3] =	stream.indirect.scatter.add.f32 [tilespmem:s23], [sflag:$0x5], $0x80, s22, s20, $0xb8;
	[tilespmem:$0x1E580] =	vst v63  }
.Ltmp0:
0x67: {  	_ =	swait.ge [sflag:s18], $0x4000;
	(pc) =	sbr.rel @p5 .LBB2_2-.Ltmp0, $4  }
0x68: {  	[sflag:s18] =	ssyncset.done $0x0  }
0x69: {  	s1 =	sadd.s32 s1, s17;
	[sflag:s18] =	ssyncadd.s32 $0xFFFFC000  }
0x6a: {  	[tilespmem:s22], [sflag:$0x4] =	stream.linear.gather [hbm4b:s1+s4], $0x80, $0x38;
	[tilespmem:$0x1E580] =	vst v63  }
0x6b: {  	s1 =	sadd.s32 $0x80, s31;
	s31 =	sadd.s32 $0x100, s31  }
0x6c: {  	[tilespmem:s23], [sflag:$0x2] =	stream.indirect.gather [hbm4b:s2+s20], $0x80, s1, s20, $0xb8;
	[tilespmem:$0x1E580] =	vst v63  }
0x6d: {  	_ =	swait.ge [sflag:s24], $0x80  }
0x6e: {  	[sflag:s24] =	ssyncset.done $0x0  }
0x6f: {  	[sflag:s24] =	ssyncadd.s32 $0xFFFFFF80  }
0x70: {  	_ =	swait.ge [sflag:s25], $0x4000  }
0x71: {  	[sflag:s25] =	ssyncset.done $0x0  }
0x72: {  	[sflag:s25] =	ssyncadd.s32 $0xFFFFC000  }
0x73: {  	[spmem:s3] =	stream.indirect.scatter.add.f32 [tilespmem:s21], [sflag:$0x5], $0x80, s19, s20, $0xb8;
	[tilespmem:$0x1E580] =	vst v63  }
0x74: {  	_ =	swait.ge [sflag:s18], $0x4000  }
0x75: {  	[sflag:s18] =	ssyncset.done $0x0  }
0x76: {  	[sflag:s18] =	ssyncadd.s32 $0xFFFFC000  }
0x77: {  	_ =	swait.ge [sflag:s26], $0x80  }
0x78: {  	[sflag:s26] =	ssyncset.done $0x0  }
0x79: {  	[sflag:s26] =	ssyncadd.s32 $0xFFFFFF80  }
0x7a: {  	_ =	swait.ge [sflag:s28], $0x4000  }
0x7b: {  	[sflag:s28] =	ssyncset.done $0x0  }
0x7c: {  	[sflag:s28] =	ssyncadd.s32 $0xFFFFC000  }
0x7d: {  	[spmem:s3] =	stream.indirect.scatter.add.f32 [tilespmem:s23], [sflag:$0x5], $0x80, s22, s20, $0xb8;
	[tilespmem:$0x1E580] =	vst v63  }
0x7e: {  	_ =	swait.ge [sflag:s18], $0x4000  }
0x7f: {  	[sflag:s18] =	ssyncset.done $0x0  }
0x80: {  	[sflag:s18] =	ssyncadd.s32 $0xFFFFC000  }
0x81: {  	s1 =	sshrl.u32 @p0 s11, $0x3;
	s7 =	simm.s32 @p0 $0x1FC5;
	[bflag:$0x0] =	sbarrier.arrive $0xFFFF  }
0x82: {  	[hbm:s14], [sflag:s7] =	dma.local @p0 [spmem:s1], $0x1900  }
0x83: {  	s1 =	simm.s32 @p0 $0x5  }
0x84: {  	s29 =	sadd.s32 $0x1, s29;
	_ =	swait.ge @p0 [sflag:s1], $0x1900  }
0x85: {  	p5 =	sne.s32 s29, s15;
	s7 =	sshll.u32 @!p0 s0, $0x6;
	[sflag:s1] =	ssyncset.done @p0 $0x0  }
0x86: {  	[sflag:s1] =	ssyncadd.s32 @p0 $0xFFFFE700;
	s1 =	sor.u32 @!p0 $0x1C05, s7;
	s7 =	sshrl.u32 @!p0 s9, $0x3  }
0x87: {  	[hbm:s13], [sflag:s1] =	dma.local @!p0 [spmem:s7], $0x2800  }
.Ltmp1:
0x88: {  	_ = 	snop;
	(pc) =	sbr.rel @p5 .LBB2_1-.Ltmp1, $4  }
0x89: {  	s1 =	simm.s32 @!p0 $0x5  }
0x8a: {  	_ =	swait.ge @!p0 [sflag:s1], $0x2800  }
0x8b: {  	[sflag:s1] =	ssyncset.done @!p0 $0x0  }
0x8c: {  	[sflag:s1] =	ssyncadd.s32 @!p0 $0xFFFFD800  }
0x8d: {  	_ =	sfence.sel $0x180000  }
0x8e: {  	[bflag:$0x0] =	sbarrier.arrive $0xFFFF  }
0x8f: {  	_ =	strace $0x9000004D  }
0x90: {  	[bflag:$0x2] =	sbarrier.arrive $0xFFFF  }
0x91: {  	p0 =	sne.s32 s0, $0x0;
	s0 =	rddreg [dreg:$0x3]  }
0x92: {  	s0 =	sadd.s32 @!p0 $0x100000, s0  }
0x93: {  	[sflag:s0] =	ssyncadd.tile.s32 @!p0 $0x1;
	_ =	shalt  }
.Lfunc_end2:
_tile_overlayer_lowered:
.L_overlay_start_2:
0x94: {  	(tag) =	ssettag $0x2  }
0x95: {  	s0 =	rddreg [dreg:$0x0];
	s2 =	stileid.u32  }
0x96: {  	s1 =	rddreg [dreg:$0x1];
	p0 =	sne.s32 s2, $0x0  }
0x97: {  	s3 =	rddreg [dreg:$0x2];
	[bflag:$0x3] =	sbarrier.arrive $0xFFFF;
	s2 =	simm.s32 @!p0 $0x1C05  }
0x98: {  	[timem:s3], [sflag:s2] =	dma.local @!p0 [hbm:s0], s1  }
0x99: {  	s0 =	simm.s32 @!p0 $0x5  }
0x9a: {  	_ =	swait.ge @!p0 [sflag:s0], s1  }
0x9b: {  	s1 =	ssub.s32 @!p0 $0x0, s1;
	[sflag:s0] =	ssyncset.done @!p0 $0x0  }
0x9c: {  	[sflag:s0] =	ssyncadd.s32 @!p0 s1  }
0x9d: {  	[bflag:$0x3] =	sbarrier.arrive $0xFFFF  }
0x9e: {  	_ =	shalt  }

// kernel: kernel.9.cloned.1.call-start
scs
__scs_entry_jumppad:
0x0: {  	(pc) =	sbr.rel $0x88, $3  }
0x1: {  	(tag) =	ssettag $0x0;
	lr =	simm.s32 $0x1  }
0x2: {  	[smem:$0x3F9B] =	sst lr;
	_ =	strace $0xD0000000  }
0x3: {  	_ = 	snop  }
0x4: {  	_ = 	snop  }
0x5: {  	_ = 	snop  }
0x6: {  	_ = 	snop  }
0x7: {  	_ = 	snop  }
__scs_overlays_trampoline_lowered:
0x8: {  	[smem:$0x3FAA] =	sst s0  }
0x9: {  	[smem:$0x3FAB] =	sst s1  }
0xa: {  	[smem:$0x3FAC] =	sst s2  }
0xb: {  	[smem:$0x3FAD] =	sst s3  }
0xc: {  	[smem:$0x3FAE] =	sst s4  }
0xd: {  	[smem:$0x3FAF] =	sst s5  }
0xe: {  	[smem:$0x3FB0] =	sst s6  }
0xf: {  	[smem:$0x3FB1] =	sst s7  }
0x10: {  	[smem:$0x3FB2] =	sst s8  }
0x11: {  	[smem:$0x3FB3] =	sst s9;
	s0 =	simm.s32 @!p0 $0x0  }
0x12: {  	s1 =	sld [smem:$0x3F99];
	s0 =	simm.s32 @p0 $0x1  }
0x13: {  	[smem:$0x3FB4] =	sst s0;
	s0 =	simm.s32 @!p1 $0x0  }
0x14: {  	s2 =	sld [smem:$0x3F98];
	s0 =	simm.s32 @p1 $0x1  }
0x15: {  	[smem:$0x3FB5] =	sst s0;
	s0 =	simm.s32 @!p2 $0x0  }
0x16: {  	s3 =	sld [smem:$0x3FDB];
	s0 =	simm.s32 @p2 $0x1  }
0x17: {  	s4 =	simm.s32 $0x1BF5;
	[smem:$0x3FB7] =	sst s0  }
0x18: {  	s0 =	sld [smem:$0x3F9A];
	_ =	swait.ge [sflag:s4], $0x0  }
0x19: {  	s7 =	sld [smem:$0x3F9B]  }
0x1a: {  	s8 =	sadd.s32 $0xFFFFE003, lr  }
0x1b: {  	s9 =	sadd.s32 $0xFFFFFEF7, lr;
	s5 =	simm.s32 $0xFFFFFFFF;
	p2 =	slt.u32 s8, $0xFFFFF086  }
0x1c: {  	p1 =	slt.u32 s9, $0xF7A;
	s5 =	simm.s32 @!p2 $0x0  }
0x1d: {  	s5 =	simm.s32 @p1 $0x1;
	p0 =	seq.s32 s7, s2  }
0x1e: {  	s7 =	smul.u32 @!p0 $0xF7A, s2;
	p2 =	seq.s32 @!p0 s5, $0x0  }
0x1f: {  	s9 =	smul.u32 $0xF7A, s1;
	s8 =	simm.s32 @!p0 $0x1BF5;
	p2 =	por !p2, p0  }
0x20: {  	[sflag:s8] =	ssyncset.s32 @!p0 $0xFFFFF086;
	s6 =	sadd.s32 @!p0 s3, s7;
	s7 =	simm.s32 @!p0 $0x108  }
0x21: {  	s3 =	sadd.s32 s3, s9;
	s6 =	sadd.s32 @!p0 $0x88, s6;
	s7 =	simm.s32 @p2 $0x1082  }
0x22: {  	[simem:s7], [sflag:s8] =	dma.local @!p0 [hbm:s6], $0xF7A  }
0x23: {  	s9 =	sor.u32 $0xD0000000, s2;
	s6 =	simm.s32 $0x108;
	_ =	swait.ge @!p0 [sflag:s8], $0x0  }
0x24: {  	s3 =	sadd.s32 $0x88, s3;
	s6 =	simm.s32 @!p1 $0x1082;
	[sflag:s4] =	ssyncset.s32 $0xFFFFF086  }
0x25: {  	[simem:s6], [sflag:s4] =	dma.local [hbm:s3], $0xF7A  }
0x26: {  	[smem:$0x3F9B] =	sst s1;
	(tag) =	ssettag s2;
	_ =	strace s9  }
0x27: {  	s1 =	sld [smem:$0x3FAB]  }
0x28: {  	s2 =	sld [smem:$0x3FAC]  }
0x29: {  	s4 =	sld [smem:$0x3FAE]  }
0x2a: {  	p0 =	seq.s32 s5, $0x0;
	s5 =	sld [smem:$0x3FAF]  }
0x2b: {  	s6 =	sld [smem:$0x3FB0]  }
0x2c: {  	s7 =	sld [smem:$0x3FB1]  }
0x2d: {  	s3 =	simm.s32 $0x108;
	s8 =	sld [smem:$0x3FB2]  }
0x2e: {  	s3 =	simm.s32 @!p0 $0x1082;
	s9 =	sld [smem:$0x3FB3]  }
0x2f: {  	lr =	sadd.s32 s0, s3;
	s0 =	sld [smem:$0x3FAA]  }
0x30: {  	s3 =	sld [smem:$0x3FAD]  }
0x31: {  	[smem:$0x3FB6] =	sst s10  }
0x32: {  	s10 =	sld [smem:$0x3FB4];
	_ =	sdelay $0x3  }
0x33: {  	p0 =	seq.s32 s10, $0x1;
	s10 =	sld [smem:$0x3FB6];
	_ =	sdelay $0x3  }
0x34: {  	[smem:$0x3FB6] =	sst s10  }
0x35: {  	s10 =	sld [smem:$0x3FB5];
	_ =	sdelay $0x3  }
0x36: {  	p1 =	seq.s32 s10, $0x1;
	s10 =	sld [smem:$0x3FB6];
	_ =	sdelay $0x3  }
0x37: {  	[smem:$0x3FB6] =	sst s10  }
0x38: {  	s10 =	sld [smem:$0x3FB7]  }
0x39: {  	_ = 	snop;
	(pc) =	sbr.ind lr, $3  }
0x3a: {  	_ = 	snop  }
0x3b: {  	_ = 	snop  }
0x3c: {  	p2 =	seq.s32 s10, $0x1;
	s10 =	sld [smem:$0x3FB6]  }
0x3d: {  	_ =	shalt  }
0x3e: {  	_ =	shalt  }
0x3f: {  	_ =	shalt  }
0x40: {  	_ =	shalt  }
0x41: {  	_ =	shalt  }
0x42: {  	_ =	shalt  }
0x43: {  	_ =	shalt  }
0x44: {  	_ =	shalt  }
0x45: {  	_ =	shalt  }
0x46: {  	_ =	shalt  }
0x47: {  	_ =	shalt  }
0x48: {  	_ =	shalt  }
0x49: {  	_ =	shalt  }
0x4a: {  	_ =	shalt  }
0x4b: {  	_ =	shalt  }
0x4c: {  	_ =	shalt  }
0x4d: {  	_ =	shalt  }
0x4e: {  	_ =	shalt  }
0x4f: {  	_ =	shalt  }
0x50: {  	_ =	shalt  }
0x51: {  	_ =	shalt  }
0x52: {  	_ =	shalt  }
0x53: {  	_ =	shalt  }
0x54: {  	_ =	shalt  }
0x55: {  	_ =	shalt  }
0x56: {  	_ =	shalt  }
0x57: {  	_ =	shalt  }
0x58: {  	_ =	shalt  }
0x59: {  	_ =	shalt  }
0x5a: {  	_ =	shalt  }
0x5b: {  	_ =	shalt  }
0x5c: {  	_ =	shalt  }
0x5d: {  	_ =	shalt  }
0x5e: {  	_ =	shalt  }
0x5f: {  	_ =	shalt  }
0x60: {  	_ =	shalt  }
0x61: {  	_ =	shalt  }
0x62: {  	_ =	shalt  }
0x63: {  	_ =	shalt  }
0x64: {  	_ =	shalt  }
0x65: {  	_ =	shalt  }
0x66: {  	_ =	shalt  }
0x67: {  	_ =	shalt  }
0x68: {  	_ =	shalt  }
0x69: {  	_ =	shalt  }
0x6a: {  	_ =	shalt  }
0x6b: {  	_ =	shalt  }
0x6c: {  	_ =	shalt  }
0x6d: {  	_ =	shalt  }
0x6e: {  	_ =	shalt  }
0x6f: {  	_ =	shalt  }
0x70: {  	_ =	shalt  }
0x71: {  	_ =	shalt  }
0x72: {  	_ =	shalt  }
0x73: {  	_ =	shalt  }
0x74: {  	_ =	shalt  }
0x75: {  	_ =	shalt  }
0x76: {  	_ =	shalt  }
0x77: {  	_ =	shalt  }
0x78: {  	_ =	shalt  }
0x79: {  	_ =	shalt  }
0x7a: {  	_ =	shalt  }
0x7b: {  	_ =	shalt  }
0x7c: {  	_ =	shalt  }
0x7d: {  	_ =	shalt  }
0x7e: {  	_ =	shalt  }
0x7f: {  	_ =	shalt  }
0x80: {  	_ =	shalt  }
0x81: {  	_ =	shalt  }
0x82: {  	_ =	shalt  }
0x83: {  	_ =	shalt  }
0x84: {  	_ =	shalt  }
0x85: {  	_ =	shalt  }
0x86: {  	_ =	shalt  }
0x87: {  	_ =	shalt  }
.Lfunc_end0:
.L_simem_size_0:
called_computation_lowered:
.L_overlay_start_0:
0x88: {  	s2 =	sld [smem:$0x3FD9]  }
0x89: {  	s3 =	sld [smem:$0x3FFE];
	_ =	sdelay $0x1  }
0x8a: {  	s1 =	srdreg.scid  }
0x8b: {  	s0 =	sand.u32 $0x1, s1  }
0x8c: {  	s17 =	sshll.u32 s0, $0xA;
	s2 =	sadd.s32 s3, s2  }
0x8d: {  	s2 =	sadd.s32 s2, s17  }
0x8e: {  	[smem:$0x3FC2] =	sst s2  }
0x8f: {  	_ = 	snop  }
0x90: {  	s2 =	sld [smem:$0x3FD0];
	(tm) =	ssettm $0x1  }
0x91: {  	s18 =	sld [smem:$0x3FFB];
	_ =	sdelay $0x3  }
0x92: {  	_ =	strace s18  }
0x93: {  	s3 =	sld [smem:$0x3FFC];
	_ =	sdelay $0x3  }
0x94: {  	_ =	strace s3  }
0x95: {  	s3 =	sld [smem:$0x3FFD];
	_ =	sdelay $0x3  }
0x96: {  	_ =	strace s3  }
0x97: {  	_ =	strace $0x8FFFFFFF  }
0x98: {  	s19 =	sld [smem:$0x3FDB];
	_ =	sdelay $0x1  }
0x99: {  	s4 =	simm.s32 $_scs_section_size  }
0x9a: {  	s5 =	simm.s32 $_size__tile_overlayer_lowered;
	s6 =	simm.s32 $_tile_overlayer_lowered  }
0x9b: {  	s22 =	simm.s32 $0x1BFF;
	s21 =	sshll.u32 s6, $0x1;
	s3 =	sadd.s32 s4, s19  }
0x9c: {  	s7 =	simm.s32 $0x0;
	s20 =	sshll.u32 s5, $0x1;
	s5 =	sadd.s32 s21, s3  }
0x9d: {  	[timem:s7], [sflag:s22] =	dma.local [hbm:s5], s20  }
0x9e: {  	_ =	swait.ge [sflag:s22], s20  }
0x9f: {  	s4 =	ssub.s32 $0x0, s20;
	[sflag:s22] =	ssyncset.done $0x0  }
0xa0: {  	[sflag:s22] =	ssyncadd.s32 s4;
	_ =	sdelay $0x1  }
0xa1: {  	s23 =	simm.s32 $0x1B8B  }
0xa2: {  	_ =	swait.ge [sflag:s23], $0x1  }
0xa3: {  	[sflag:s23] =	ssyncset.done $0x0  }
0xa4: {  	s25 =	simm.s32 $0x1B8E;
	s24 =	sld [smem:$0x3FFE];
	[sflag:s23] =	ssyncadd.s32 $0xFFFFFFFF  }
0xa5: {  	s26 =	simm.s32 $execute0_lowered;
	[smem:$0x3FD2] =	sst s25  }
0xa6: {  	s5 =	sshll.u32 s26, $0x1;
	_ =	strace $0x80000046;
	[dreg:$0x1] =	wrdreg $0xFFFFFFFF  }
0xa7: {  	s28 =	simm.s32 $_size_execute0_lowered;
	s3 =	sadd.s32 s3, s5;
	[dreg:$0x0] =	wrdreg $0x0  }
0xa8: {  	s5 =	sshll.u32 s28, $0x1;
	[dreg:$0x2] =	wrdreg s3  }
0xa9: {  	[dreg:$0x3] =	wrdreg s5  }
0xaa: {  	[dreg:$0x4] =	wrdreg $0xC0  }
0xab: {  	_ =	task [dreg:s7], $0x5FFFF  }
0xac: {  	[dreg:$0x1] =	wrdreg $0xFFFFFFFF  }
0xad: {  	[dreg:$0x0] =	wrdreg $0x60  }
0xae: {  	[dreg:$0x2] =	wrdreg s24  }
0xaf: {  	[dreg:$0x3] =	wrdreg s2  }
0xb0: {  	[dreg:$0x4] =	wrdreg $0x2B000  }
0xb1: {  	[dreg:$0x5] =	wrdreg $0x9  }
0xb2: {  	_ =	task.clear_ibuf [dreg:s7], $0x6FFFF;
	_ =	strace $0x90000046  }
0xb3: {  	s29 =	simm.s32 $0x9;
	_ =	strace $0x80000048  }
0xb4: {  	_ =	swait.ge [sflag:s29], $0x1  }
0xb5: {  	[sflag:s29] =	ssyncadd.s32 $0xFFFFFFFF  }
0xb6: {  	_ =	strace $0x90000048  }
0xb7: {  	_ =	sfence  }
0xb8: {  	s30 =	sld [smem:$0x0];
	_ =	sdelay $0x2  }
0xb9: {  	s31 =	sshll.u32 s1, $0xD;
	s1 =	sshrl.u32 s1, $0x2  }
0xba: {  	s3 =	sand.u32 $0x4000, s31;
	s1 =	sadd.s32 s1, s30  }
0xbb: {  	s0 =	sor.u32 s3, s0;
	s1 =	sshll.u32 s1, $0x11  }
0xbc: {  	s0 =	sor.u32 s1, s0  }
0xbd: {  	s0 =	sadd.s32 $0x8F2B, s0  }
0xbe: {  	[sflag:s0] =	ssyncadd.remote.s32 $0x1  }
0xbf: {  	_ =	sfence.sel $0xFFFF  }
0xc0: {  	[dreg:$0x0] =	wrdreg $0xFFFFFFFF;
	(pc) =	sbr.abs _section_cstart, $3  }
0xc1: {  	[dreg:$0x1] =	wrdreg $0xFFFFFFFF  }
0xc2: {  	_ =	task.clear_ibuf [dreg:s7], $0x2FFFF;
	_ =	strace $0x9FFFFFFF  }
0xc3: {  	(tm) =	ssettm $0x7FFFFFFF  }
tec
execute0_lowered:
.L_overlay_start_1:
0x0: {  	(tag) =	ssettag $0x1  }
0x1: {  	s4 =	rddreg [dreg:$0x0]  }
0x2: {  	s6 =	rddreg [dreg:$0x1];
	s0 =	srdreg.scid  }
0x3: {  	s2 =	rddreg [dreg:$0x2];
	s1 =	stileid.u32;
	s3 =	simm.s32 $0x0  }
0x4: {  	s11 =	simm.s32 $0x2A80;
	s5 =	sand.u32 $0x1, s0;
	s0 =	rddreg [dreg:$0x3]  }
0x5: {  	s14 =	simm.s32 $0x0;
	s8 =	smul.u32 $0x280, s1;
	[smem:$0x7FF] =	sst s3  }
0x6: {  	s12 =	sshll.u32 s1, $0x6;
	s7 =	sshll.u32 s5, $0x4;
	s9 =	smul.u32 $0x2800, s5  }
0x7: {  	s5 =	ssub.s32 $0x2, s5;
	_ =	strace $0x80000047;
	s7 =	sor.u32 s1, s7  }
0x8: {  	s12 =	sor.u32 $0x1C01, s12;
	s10 =	sshrl.u32 s5, $0x1;
	s7 =	smul.u32 $0x500, s7  }
0x9: {  	s9 =	sadd.s32 s8, s9;
	s31 =	ssub.s32 s5, s10;
	s5 =	sadd.s32 s8, s2  }
0xa: {  	s8 =	simm.s32 $0x1;
	s10 =	simm.s32 $0x80;
	s9 =	sshrl.u32 s9, $0x3  }
0xb: {  	s13 =	sshrl.u32 s5, $0x3;
	s4 =	sadd.s32 s7, s4;
	s6 =	sadd.s32 s6, s9  }
0xc: {  	v0 =	vimm.f32 $0.0e+00;
	v1 =	vimm.f32 $1.000000000e+00;
	s7 =	smax.u32 s31, $0x1;
	s9 =	simm.s32 $0x2800;
	s4 =	sadd.s32 $0x1600, s4  }
.LBB2_1:
0xd: {  	[tilespmem:s3], [sflag:$0x1] =	stream.linear.gather [hbm4b:s4+s3], $0x2800, $0x38;
	[tilespmem:$0x2D80] =	vst v63  }
0xe: {  	_ =	swait.ge [sflag:s8], $0x2800  }
0xf: {  	[sflag:s8] =	ssyncset.done $0x0  }
0x10: {  	[sflag:s8] =	ssyncadd.s32 $0xFFFFD800  }
0x11: {  	[tilespmem:$0x2800] =	vst v0  }
0x12: {  	[tilespmem:$0x2810] =	vst v0  }
0x13: {  	[tilespmem:$0x2820] =	vst v0  }
0x14: {  	[tilespmem:$0x2830] =	vst v0  }
0x15: {  	[tilespmem:$0x2840] =	vst v0  }
0x16: {  	[tilespmem:$0x2850] =	vst v0  }
0x17: {  	[tilespmem:$0x2860] =	vst v0  }
0x18: {  	[tilespmem:$0x2870] =	vst v0  }
0x19: {  	[tilespmem:$0x2880] =	vst v0  }
0x1a: {  	[tilespmem:$0x2890] =	vst v0  }
0x1b: {  	[tilespmem:$0x28A0] =	vst v0  }
0x1c: {  	[tilespmem:$0x28B0] =	vst v0  }
0x1d: {  	[tilespmem:$0x28C0] =	vst v0  }
0x1e: {  	[tilespmem:$0x28D0] =	vst v0  }
0x1f: {  	[tilespmem:$0x28E0] =	vst v0  }
0x20: {  	[tilespmem:$0x28F0] =	vst v0  }
0x21: {  	[tilespmem:$0x2900] =	vst v0  }
0x22: {  	[tilespmem:$0x2910] =	vst v0  }
0x23: {  	[tilespmem:$0x2920] =	vst v0  }
0x24: {  	[tilespmem:$0x2930] =	vst v0  }
0x25: {  	[tilespmem:$0x2940] =	vst v0  }
0x26: {  	[tilespmem:$0x2950] =	vst v0  }
0x27: {  	[tilespmem:$0x2960] =	vst v0  }
0x28: {  	[tilespmem:$0x2970] =	vst v0  }
0x29: {  	[tilespmem:$0x2980] =	vst v0  }
0x2a: {  	[tilespmem:$0x2990] =	vst v0  }
0x2b: {  	[tilespmem:$0x29A0] =	vst v0  }
0x2c: {  	[tilespmem:$0x29B0] =	vst v0  }
0x2d: {  	[tilespmem:$0x29C0] =	vst v0  }
0x2e: {  	[tilespmem:$0x29D0] =	vst v0  }
0x2f: {  	[tilespmem:$0x29E0] =	vst v0  }
0x30: {  	[tilespmem:$0x29F0] =	vst v0  }
0x31: {  	[tilespmem:$0x2A00] =	vst v0  }
0x32: {  	[tilespmem:$0x2A10] =	vst v0  }
0x33: {  	[tilespmem:$0x2A20] =	vst v0  }
0x34: {  	[tilespmem:$0x2A30] =	vst v0  }
0x35: {  	[tilespmem:$0x2A40] =	vst v0  }
0x36: {  	[tilespmem:$0x2A50] =	vst v0  }
0x37: {  	[tilespmem:$0x2A60] =	vst v0  }
0x38: {  	[tilespmem:$0x2A70] =	vst v0  }
0x39: {  	[tilespmem:$0x2A80] =	vst v1  }
0x3a: {  	[tilespmem:$0x2A90] =	vst v1  }
0x3b: {  	[tilespmem:$0x2AA0] =	vst v1  }
0x3c: {  	[tilespmem:$0x2AB0] =	vst v1  }
0x3d: {  	[tilespmem:$0x2AC0] =	vst v1  }
0x3e: {  	[tilespmem:$0x2AD0] =	vst v1  }
0x3f: {  	[tilespmem:$0x2AE0] =	vst v1  }
0x40: {  	[tilespmem:$0x2AF0] =	vst v1  }
0x41: {  	[spmem:s5] =	stream.linear.scatter [tilespmem:s9], [sflag:$0x1], $0x280, $0x38;
	[tilespmem:$0x2D80] =	vst v63  }
0x42: {  	_ =	swait.ge [sflag:s8], $0x280  }
0x43: {  	[sflag:s8] =	ssyncset.done $0x0  }
0x44: {  	[sflag:s8] =	ssyncadd.s32 $0xFFFFFD80  }
0x45: {  	s15 =	simm.s32 $0x0;
	[bflag:$0x0] =	sbarrier.arrive $0xFFFF  }
0x46: {  	[spmem:s2] =	stream.indirect.scatter.add.f32 [tilespmem:s11], [sflag:$0x1], $0x1, s15, s10, $0xb8;
	[tilespmem:$0x2D80] =	vst v63  }
0x47: {  	_ =	swait.ge [sflag:s8], $0x80  }
0x48: {  	s15 =	simm.s32 $0x200;
	[sflag:s8] =	ssyncset.done $0x0  }
.LBB2_2:
0x49: {  	s16 =	sshra.s32 s15, $0x2;
	[sflag:s8] =	ssyncadd.s32 $0xFFFFFF80;
	p0 =	sne.s32 s15, $0x9E00  }
0x4a: {  	[spmem:s2] =	stream.indirect.scatter.add.f32 [tilespmem:s11], [sflag:$0x1], $0x1, s16, s10, $0xb8;
	[tilespmem:$0x2D80] =	vst v63  }
.Ltmp0:
0x4b: {  	_ = 	snop;
	(pc) =	sbr.rel @p0 .LBB2_2-.Ltmp0, $4  }
0x4c: {  	_ = 	snop  }
0x4d: {  	s15 =	sadd.s32 $0x200, s15  }
0x4e: {  	_ =	swait.ge [sflag:s8], $0x80  }
0x4f: {  	[sflag:s8] =	ssyncset.done $0x0  }
0x50: {  	s14 =	sadd.s32 $0x1, s14  }
0x51: {  	[sflag:s8] =	ssyncadd.s32 $0xFFFFFF80;
	p0 =	sne.s32 s14, s7  }
.Ltmp1:
0x52: {  	[bflag:$0x0] =	sbarrier.arrive $0xFFFF;
	(pc) =	sbr.rel @p0 .LBB2_1-.Ltmp1, $4  }
0x53: {  	[hbm:s6], [sflag:s12] =	dma.local [spmem:s13], $0x50  }
0x54: {  	_ =	swait.ge [sflag:s8], $0x50  }
0x55: {  	[sflag:s8] =	ssyncset.done $0x0  }
0x56: {  	[sflag:s8] =	ssyncadd.s32 $0xFFFFFFB0  }
0x57: {  	_ =	sfence.sel $0x180000  }
0x58: {  	[bflag:$0x0] =	sbarrier.arrive $0xFFFF  }
0x59: {  	p0 =	sne.s32 s1, $0x0;
	_ =	strace $0x90000047  }
0x5a: {  	s0 =	sadd.s32 @!p0 $0x100000, s0;
	[bflag:$0x2] =	sbarrier.arrive $0xFFFF  }
0x5b: {  	[sflag:s0] =	ssyncadd.tile.s32 @!p0 $0x1;
	_ =	shalt  }
.Lfunc_end2:
_tile_overlayer_lowered:
.L_overlay_start_2:
0x5c: {  	(tag) =	ssettag $0x2  }
0x5d: {  	s0 =	rddreg [dreg:$0x0];
	s2 =	stileid.u32  }
0x5e: {  	s1 =	rddreg [dreg:$0x1];
	p0 =	sne.s32 s2, $0x0  }
0x5f: {  	s3 =	rddreg [dreg:$0x2];
	[bflag:$0x3] =	sbarrier.arrive $0xFFFF;
	s2 =	simm.s32 @!p0 $0x1C01  }
0x60: {  	[timem:s3], [sflag:s2] =	dma.local @!p0 [hbm:s0], s1  }
0x61: {  	s0 =	simm.s32 @!p0 $0x1  }
0x62: {  	_ =	swait.ge @!p0 [sflag:s0], s1  }
0x63: {  	s1 =	ssub.s32 @!p0 $0x0, s1;
	[sflag:s0] =	ssyncset.done @!p0 $0x0  }
0x64: {  	[sflag:s0] =	ssyncadd.s32 @!p0 s1  }
0x65: {  	[bflag:$0x3] =	sbarrier.arrive $0xFFFF  }
0x66: {  	_ =	shalt  }

</sc_bundles>
